<compile_context>
chip_gen: v7x
topology: tpu7x:2x2x1
jax: 0.10.2.dev20260603
libtpu: 0.0.44.dev20260713+nightly
codegen_flags: <defaults>
</compile_context>

<pallas_src>
import functools

import jax
import jax.numpy as jnp
from jax import lax
from jax.experimental import pallas as pl
from jax.experimental.pallas import tpu as pltpu
from jax.experimental.pallas import tpu_sc as plsc

BATCH = 16384
DIM = 1024
NGROUPS = 8
KSEL = 64
ROWTILE = 2048
STILE = 4096
_NVREG = DIM // 16



def _sc_topk_body(logits_hbm, mask_hbm, row_v, keys_v, outm_v):
    c = lax.axis_index("c")
    s = lax.axis_index("s")
    wid = s * 2 + c

    @pl.when(wid < NGROUPS)
    def _():
        g = wid
        pltpu.sync_copy(logits_hbm.at[g], row_v)

        def prep(j, carry):
            v = row_v[pl.ds(j * 16, 16)]
            b = plsc.bitcast(v, jnp.uint32)
            sign = b >> 31
            key = b ^ (sign * jnp.uint32(0x7FFFFFFF) + jnp.uint32(0x80000000))
            keys_v[pl.ds(j * 16, 16)] = key
            return carry

        lax.fori_loop(0, _NVREG, prep, 0, unroll=8)

        def count_ge(t):
            tv = jnp.full((16,), t, jnp.uint32)

            def cbody(j, cnt):
                kv = keys_v[pl.ds(j * 16, 16)]
                return cnt + jnp.where(kv >= tv, 1, 0).astype(jnp.int32)

            cnt = lax.fori_loop(0, _NVREG, cbody, jnp.zeros((16,), jnp.int32),
                                unroll=16)
            return jnp.sum(cnt)

        def bs_body(_, lohi):
            lo, hi = lohi
            mid = lo + ((hi - lo) >> 1)
            ge = count_ge(mid) >= KSEL
            return (jnp.where(ge, mid, lo), jnp.where(ge, hi, mid))

        lo, hi = lax.fori_loop(
            0, 32, bs_body,
            (jnp.uint32(0), jnp.uint32(0xFFFFFFFF)))
        thresh = lo
        cnt_gt = count_ge(thresh + jnp.uint32(1))
        need = KSEL - cnt_gt

        tv = jnp.full((16,), thresh, jnp.uint32)

        def count_eq_below(p):
            pv = jnp.full((16,), p, jnp.int32)

            def cbody(j, cnt):
                kv = keys_v[pl.ds(j * 16, 16)]
                idx = lax.iota(jnp.int32, 16) + jnp.full((16,), j * 16, jnp.int32)
                m = (kv == tv) & (idx < pv)
                return cnt + jnp.where(m, 1, 0).astype(jnp.int32)

            cnt = lax.fori_loop(0, _NVREG, cbody, jnp.zeros((16,), jnp.int32),
                                unroll=8)
            return jnp.sum(cnt)

        def is_body(_, lohi):
            lo2, hi2 = lohi
            mid = (lo2 + hi2) >> 1
            ge = count_eq_below(mid) >= need
            return (jnp.where(ge, lo2, mid), jnp.where(ge, mid, hi2))

        lo2, hi2 = lax.fori_loop(0, 10, is_body,
                                 (jnp.int32(0), jnp.int32(DIM)))
        pstar = jnp.full((16,), hi2, jnp.int32)

        def wbody(j, carry):
            kv = keys_v[pl.ds(j * 16, 16)]
            idx = lax.iota(jnp.int32, 16) + jnp.full((16,), j * 16, jnp.int32)
            sel = (kv > tv) | ((kv == tv) & (idx < pstar))
            outm_v[pl.ds(j * 16, 16)] = jnp.where(sel, 1.0, 0.0).astype(jnp.float32)
            return carry

        lax.fori_loop(0, _NVREG, wbody, 0, unroll=8)
        pltpu.sync_copy(outm_v, mask_hbm.at[g])


def _sc_topk_mask(logits):
    mesh = plsc.VectorSubcoreMesh(core_axis_name="c", subcore_axis_name="s")
    fn = functools.partial(
        pl.kernel,
        mesh=mesh,
        out_type=jax.ShapeDtypeStruct((NGROUPS, DIM), jnp.float32),
        scratch_types=[
            pltpu.VMEM((DIM,), jnp.float32),
            pltpu.VMEM((DIM,), jnp.uint32),
            pltpu.VMEM((DIM,), jnp.float32),
        ],
        compiler_params=pltpu.CompilerParams(needs_layout_passes=False),
    )(_sc_topk_body)
    return fn(logits)


def _mt_dot(a, b):
    return lax.dot_general(a, b, (((1,), (1,)), ((), ())),
                           preferred_element_type=jnp.float32)


def _main_body(xl_ref, xr_ref, mask_ref, w1p_ref, b1_ref, w2c_ref, b2_ref,
               out_ref, corr_ref,
               xbf_ref, a1_ref, w2blk_ref, colsq_ref):
    i = pl.program_id(0)
    nsteps = pl.num_programs(0)

    @pl.when(i == 0)
    def _():
        colsq_ref[...] = jnp.zeros_like(colsq_ref)

    hd = DIM // 2
    xl = xl_ref[...]
    xr = xr_ref[...]
    xbf_ref[pl.ds(i * ROWTILE, ROWTILE), :hd] = xl.astype(jnp.bfloat16)
    xbf_ref[pl.ds(i * ROWTILE, ROWTILE), hd:] = xr.astype(jnp.bfloat16)
    colsq_ref[:, :hd] += jnp.sum(xl * xl, axis=0, keepdims=True)
    colsq_ref[:, hd:] += jnp.sum(xr * xr, axis=0, keepdims=True)

    @pl.when(i == nsteps - 1)
    def _():
        mask = mask_ref[...]
        m2 = colsq_ref[...]
        inv = 1.0 / jnp.maximum(jnp.sqrt(m2), 1e-12)

        grow = lax.broadcasted_iota(jnp.int32, (NGROUPS, 128), 0)
        gcol = lax.broadcasted_iota(jnp.int32, (NGROUPS, 128), 1)
        rmat = (gcol // 16 == grow).astype(jnp.float32)
        m16 = lax.dot_general(mask, rmat, (((0,), (0,)), ((), ())),
                              preferred_element_type=jnp.float32)
        a1_ref[:, :128] = (m16 * w1p_ref[...]).astype(jnp.bfloat16)
        e8r = lax.broadcasted_iota(jnp.int32, (NGROUPS, NGROUPS), 0)
        e8c = lax.broadcasted_iota(jnp.int32, (NGROUPS, NGROUPS), 1)
        e8 = (e8r == e8c).astype(jnp.float32)
        a2t = lax.dot_general(mask * inv, e8, (((0,), (0,)), ((), ())),
                              preferred_element_type=jnp.float32)
        a1_ref[:, 128:] = a2t.astype(jnp.bfloat16)
        rows = lax.broadcasted_iota(jnp.int32, (128, NGROUPS), 0)
        cols = lax.broadcasted_iota(jnp.int32, (128, NGROUPS), 1)
        w2blk_ref[...] = jnp.where(rows // 16 == cols, w2c_ref[...], 0.0)

        def sbody(t, sacc):
            xt = xbf_ref[pl.ds(t * STILE, STILE), :]
            y = jnp.dot(xt, a1_ref[...], preferred_element_type=jnp.float32)
            h = jnp.maximum(y[:, :128] + b1_ref[...], 0.0)
            out_ref[pl.ds(t * STILE, STILE), :] = (
                jnp.dot(h, w2blk_ref[...], preferred_element_type=jnp.float32)
                + b2_ref[...])
            s = y[:, 128:]
            return sacc + jnp.sum(s * s, axis=0, keepdims=True)

        sacc = lax.fori_loop(0, BATCH // STILE, sbody,
                             jnp.zeros((1, NGROUPS), jnp.float32))
        tr = _mt_dot(m2 * inv * inv, mask)
        nz = (m2 > 0.0).astype(jnp.float32)
        nzc = _mt_dot(nz, mask)
        denom = nzc * (nzc - 1.0) * 0.5 + 1e-6
        corr_ref[...] = ((sacc - tr) / (2.0 * BATCH)) / denom


def kernel(x, group_logits, W1, b1, W2, b2):
    u = jax.random.uniform(jax.random.key(1234), group_logits.shape,
                           minval=1e-9, maxval=1.0)
    logits = group_logits + (-jnp.log(-jnp.log(u)))

    mask = _sc_topk_mask(logits)
    w1p = jnp.transpose(W1, (1, 0, 2)).reshape(DIM, NGROUPS * 16)
    b1r = b1.reshape(1, NGROUPS * 16)
    w2c = W2.reshape(NGROUPS * 16, 1)
    b2r = b2.reshape(1, NGROUPS)

    nsteps = BATCH // ROWTILE
    out, corr = pl.pallas_call(
        _main_body,
        grid=(nsteps,),
        in_specs=[
            pl.BlockSpec((ROWTILE, DIM // 2), lambda i: (i, 0)),
            pl.BlockSpec((ROWTILE, DIM // 2), lambda i: (i, 1)),
            pl.BlockSpec((NGROUPS, DIM), lambda i: (0, 0)),
            pl.BlockSpec((DIM, 128), lambda i: (0, 0)),
            pl.BlockSpec((1, 128), lambda i: (0, 0)),
            pl.BlockSpec((128, 1), lambda i: (0, 0)),
            pl.BlockSpec((1, NGROUPS), lambda i: (0, 0)),
        ],
        out_specs=[
            pl.BlockSpec((BATCH, NGROUPS), lambda i: (0, 0)),
            pl.BlockSpec((1, NGROUPS), lambda i: (0, 0)),
        ],
        out_shape=[
            jax.ShapeDtypeStruct((BATCH, NGROUPS), jnp.float32),
            jax.ShapeDtypeStruct((1, NGROUPS), jnp.float32),
        ],
        scratch_shapes=[
            pltpu.VMEM((BATCH, DIM), jnp.bfloat16),
            pltpu.VMEM((DIM, 128 + NGROUPS), jnp.bfloat16),
            pltpu.VMEM((128, NGROUPS), jnp.float32),
            pltpu.VMEM((1, DIM), jnp.float32),
        ],
        compiler_params=pltpu.CompilerParams(
            dimension_semantics=("arbitrary",),
            vmem_limit_bytes=100 * 1024 * 1024),
    )(x, x, mask, w1p, b1r, w2c, b2r)

    return out, corr.reshape(NGROUPS)

# --- scband reference (transcript-rebuilt; emitter-appended) ---
"""Pipeline reference for scband-selective-group-model-57595511439613 (READ-ONLY COPY).

The authoritative reference and input builder live on the scoring server;
editing this copy changes nothing except your own understanding.
"""

import jax, jax.numpy as jnp
import numpy as np

BATCH = 16384
INPUT_DIM = 1024
NUM_GROUPS = 8
GROUP_SIZE = 64
TEMP = 1.0


def setup_inputs(seed: int = 0) -> dict:
    key = jax.random.key(seed)
    k1, k2, k3, k4 = jax.random.split(key, 4)
    x = jax.random.normal(k1, (BATCH, INPUT_DIM), dtype=jnp.float32)
    group_logits = jax.random.normal(k2, (NUM_GROUPS, INPUT_DIM), dtype=jnp.float32)
    W1 = jax.random.normal(k3, (NUM_GROUPS, INPUT_DIM, 16), dtype=jnp.float32) * (1.0 / np.sqrt(INPUT_DIM))
    b1 = jnp.zeros((NUM_GROUPS, 16), dtype=jnp.float32)
    W2 = jax.random.normal(k4, (NUM_GROUPS, 16, 1), dtype=jnp.float32) * 0.25
    b2 = jnp.zeros((NUM_GROUPS, 1), dtype=jnp.float32)
    return {"x": x, "group_logits": group_logits, "W1": W1, "b1": b1, "W2": W2, "b2": b2}


def reference(x, group_logits, W1, b1, W2, b2):
    # Gumbel noise: random in torch; fixed key here for determinism (constant wrt grads)
    gkey = jax.random.key(1234)
    u = jax.random.uniform(gkey, group_logits.shape, minval=1e-9, maxval=1.0)
    gumbel = -jnp.log(-jnp.log(u))
    logits = group_logits + jax.lax.stop_gradient(gumbel)
    probs = jax.nn.softmax(logits / TEMP, axis=-1)
    _, topk_idx = jax.lax.top_k(probs, GROUP_SIZE)  # [G, group_size]
    sel_mask = jax.vmap(lambda m, i: m.at[i].set(1.0))(jnp.zeros_like(probs), topk_idx)

    outs = []
    corrs = []
    for i in range(NUM_GROUPS):
        group = sel_mask[i][None, :] * x  # [B, D], zeros outside selected columns
        # nonzero-column count (faithful to torch: nonzero = group.abs().sum(0) > 0)
        nzc = jnp.sum(jnp.sum(jnp.abs(group), axis=0) > 0).astype(jnp.float32)
        # the nonzero columns are exactly the top-k selected columns (x ~ randn)
        gv = jnp.take(group, topk_idx[i], axis=1)  # [B, group_size]
        norms = jnp.sqrt(jnp.sum(gv * gv, axis=0, keepdims=True))
        normed = gv / jnp.maximum(norms, 1e-12)  # F.normalize(dim=0)
        corr = (normed.T @ normed) / normed.shape[0]
        upper = jnp.triu(corr, k=1)
        avg_corr = jnp.sum(upper) / (nzc * (nzc - 1.0) / 2.0 + 1e-06)
        corrs.append(avg_corr)
        h = jnp.maximum(group @ W1[i] + b1[i], 0.0)
        outs.append(h @ W2[i] + b2[i])  # [B, 1]

    correlations = jnp.stack(corrs)  # [G]
    _, sel_idx = jax.lax.top_k(-correlations, 2)
    grad_gate = jnp.zeros((NUM_GROUPS,), dtype=jnp.float32).at[sel_idx].set(1.0)
    # torch runs non-selected groups under no_grad: forward identical, grads gated
    outs2 = [jnp.where(grad_gate[i] > 0, outs[i], jax.lax.stop_gradient(outs[i])) for i in range(NUM_GROUPS)]
    out = jnp.concatenate(outs2, axis=1)  # [B, G]
    return out, correlations

if __name__ == "__main__":
    import jax
    _d = setup_inputs()
    print(jax.jit(kernel)(*tuple(_d.values())))

</pallas_src>

<mosaic_0001>
#map = affine_map<(d0, d1) -> (0, 0)>
module attributes {stable_mosaic.version = 14 : i64} {
  func.func @_sc_topk_body(%arg0: i32, %arg1: i32, %arg2: memref<8x1024xf32, #tpu.memory_space<hbm>>, %arg3: memref<8x1024xf32, #tpu.memory_space<hbm>>, %arg4: memref<1024xf32, #tpu.memory_space<vmem>>, %arg5: memref<1024xi32, #tpu.memory_space<vmem>>, %arg6: memref<1024xf32, #tpu.memory_space<vmem>>) attributes {dimension_semantics = [#tpu.dimension_semantics<core_parallel>, #tpu.dimension_semantics<subcore_parallel>], iteration_bounds = array<i64: 2, 16>, scalar_prefetch = 0 : i64, scratch_operands = 3 : i64, tpu.core_type = #tpu.core_type<sc_vector_subcore>, window_params = [{transform_indices = #map}, {transform_indices = #map}]} {
    %mul3A = arith.constant 2 : i32
    %mul3A_0 = arith.muli %arg1, %mul3A : i32
    %add3A = arith.addi %mul3A_0, %arg0 : i32
    %lt3A = arith.constant 8 : i32
    %lt3A_1 = arith.cmpi slt, %add3A, %lt3A : i32
    %convert_element_type3A = arith.extui %lt3A_1 : i1 to i32
    %cond3A = arith.constant 0 : i32
    %cond3A_2 = arith.cmpi ne, %convert_element_type3A, %cond3A : i32
    scf.if %cond3A_2 {
      "tpu.region"() ({
        %run_scoped3A = tpu.sem_alloc : memref<!tpu.dma_semaphore, #tpu.memory_space<semaphore_mem>>
        %dma_start3A = arith.constant 0 : i32
        %dma_start3A_46 = tpu.memref_slice %arg2[%add3A, %dma_start3A] : memref<8x1024xf32, #tpu.memory_space<hbm>> -> memref<1x1024xf32, #tpu.memory_space<hbm>>
        %dma_start3A_47 = tpu.memref_squeeze %dma_start3A_46 : memref<1x1024xf32, #tpu.memory_space<hbm>> -> memref<1024xf32, #tpu.memory_space<hbm>>
        %dma_start3A_48 = arith.constant 0 : i32
        %dma_start3A_49 = tpu.memref_slice %arg2[%add3A, %dma_start3A_48] : memref<8x1024xf32, #tpu.memory_space<hbm>> -> memref<1x1024xf32, #tpu.memory_space<hbm>>
        %dma_start3A_50 = tpu.memref_squeeze %dma_start3A_49 : memref<1x1024xf32, #tpu.memory_space<hbm>> -> memref<1024xf32, #tpu.memory_space<hbm>>
        tpu.enqueue_dma source(%dma_start3A_50 : memref<1024xf32, #tpu.memory_space<hbm>>) target(%arg4 : memref<1024xf32, #tpu.memory_space<vmem>>) target_semaphore(%run_scoped3A : memref<!tpu.dma_semaphore, #tpu.memory_space<semaphore_mem>>)
        %dma_wait3A = arith.constant 0 : i32
        %dma_wait3A_51 = tpu.memref_slice %arg2[%add3A, %dma_wait3A] : memref<8x1024xf32, #tpu.memory_space<hbm>> -> memref<1x1024xf32, #tpu.memory_space<hbm>>
        %dma_wait3A_52 = tpu.memref_squeeze %dma_wait3A_51 : memref<1x1024xf32, #tpu.memory_space<hbm>> -> memref<1024xf32, #tpu.memory_space<hbm>>
        %dma_wait3A_53 = arith.constant 0 : i32
        %dma_wait3A_54 = tpu.memref_slice %arg2[%add3A, %dma_wait3A_53] : memref<8x1024xf32, #tpu.memory_space<hbm>> -> memref<1x1024xf32, #tpu.memory_space<hbm>>
        %dma_wait3A_55 = tpu.memref_squeeze %dma_wait3A_54 : memref<1x1024xf32, #tpu.memory_space<hbm>> -> memref<1024xf32, #tpu.memory_space<hbm>>
        tpu.wait_dma2 semaphore(%run_scoped3A : memref<!tpu.dma_semaphore, #tpu.memory_space<semaphore_mem>>) src(%dma_wait3A_55 : memref<1024xf32, #tpu.memory_space<hbm>>) dst(%arg4 : memref<1024xf32, #tpu.memory_space<vmem>>)
        tpu.yield
      }) : () -> ()
      %scan3A = arith.constant 0 : i32
      %scan3A_3 = arith.constant 0 : i32
      %scan3A_4 = arith.constant 64 : i32
      %scan3A_5 = arith.addi %scan3A_3, %scan3A_4 : i32
      %scan3A_6 = arith.constant 8 : i32
      scf.for %scan3A_46 = %scan3A_3 to %scan3A_5 step %scan3A_6  : i32 {
        %mul3A_47 = arith.constant 16 : i32
        %mul3A_48 = arith.muli %scan3A_46, %mul3A_47 : i32
        %get3A = arith.index_cast %mul3A_48 : i32 to index
        %get3A_49 = tpu.vector_load %arg4[%get3A] {strides = array<i32>} : memref<1024xf32, #tpu.memory_space<vmem>>, vector<16xf32>,
        %bitcast3A = vector.bitcast %get3A_49 : vector<16xf32> to vector<16xi32>
        %shift_right_logical3A = arith.constant 31 : i32
        %shift_right_logical3A_50 = vector.broadcast %shift_right_logical3A : i32 to vector<16xi32>
        %shift_right_logical3A_51 = arith.shrui %bitcast3A, %shift_right_logical3A_50 : vector<16xi32>
        %mul3A_52 = arith.constant 2147483647 : i32
        %mul3A_53 = vector.broadcast %mul3A_52 : i32 to vector<16xi32>
        %mul3A_54 = arith.muli %shift_right_logical3A_51, %mul3A_53 : vector<16xi32>
        %add3A_55 = arith.constant -2147483648 : i32
        %add3A_56 = vector.broadcast %add3A_55 : i32 to vector<16xi32>
        %add3A_57 = arith.addi %mul3A_54, %add3A_56 : vector<16xi32>
        %xor3A = arith.xori %bitcast3A, %add3A_57 : vector<16xi32>
        %mul3A_58 = arith.constant 16 : i32
        %mul3A_59 = arith.muli %scan3A_46, %mul3A_58 : i32
        %swap3A = arith.index_cast %mul3A_59 : i32 to index
        %swap3A_60 = tpu.vector_load %arg5[%swap3A] {strides = array<i32>} : memref<1024xi32, #tpu.memory_space<vmem>>, vector<16xi32>,
        tpu.vector_store %arg5[%swap3A], %xor3A {strides = array<i32>} : memref<1024xi32, #tpu.memory_space<vmem>>, vector<16xi32>,
        %scan3A_61 = arith.constant 1 : i32
        %scan3A_62 = arith.addi %scan3A_46, %scan3A_61 : i32
        %mul3A_63 = arith.constant 16 : i32
        %mul3A_64 = arith.muli %scan3A_62, %mul3A_63 : i32
        %get3A_65 = arith.index_cast %mul3A_64 : i32 to index
        %get3A_66 = tpu.vector_load %arg4[%get3A_65] {strides = array<i32>} : memref<1024xf32, #tpu.memory_space<vmem>>, vector<16xf32>,
        %bitcast3A_67 = vector.bitcast %get3A_66 : vector<16xf32> to vector<16xi32>
        %shift_right_logical3A_68 = arith.constant 31 : i32
        %shift_right_logical3A_69 = vector.broadcast %shift_right_logical3A_68 : i32 to vector<16xi32>
        %shift_right_logical3A_70 = arith.shrui %bitcast3A_67, %shift_right_logical3A_69 : vector<16xi32>
        %mul3A_71 = arith.constant 2147483647 : i32
        %mul3A_72 = vector.broadcast %mul3A_71 : i32 to vector<16xi32>
        %mul3A_73 = arith.muli %shift_right_logical3A_70, %mul3A_72 : vector<16xi32>
        %add3A_74 = arith.constant -2147483648 : i32
        %add3A_75 = vector.broadcast %add3A_74 : i32 to vector<16xi32>
        %add3A_76 = arith.addi %mul3A_73, %add3A_75 : vector<16xi32>
        %xor3A_77 = arith.xori %bitcast3A_67, %add3A_76 : vector<16xi32>
        %mul3A_78 = arith.constant 16 : i32
        %mul3A_79 = arith.muli %scan3A_62, %mul3A_78 : i32
        %swap3A_80 = arith.index_cast %mul3A_79 : i32 to index
        %swap3A_81 = tpu.vector_load %arg5[%swap3A_80] {strides = array<i32>} : memref<1024xi32, #tpu.memory_space<vmem>>, vector<16xi32>,
        tpu.vector_store %arg5[%swap3A_80], %xor3A_77 {strides = array<i32>} : memref<1024xi32, #tpu.memory_space<vmem>>, vector<16xi32>,
        %scan3A_82 = arith.constant 2 : i32
        %scan3A_83 = arith.addi %scan3A_46, %scan3A_82 : i32
        %mul3A_84 = arith.constant 16 : i32
        %mul3A_85 = arith.muli %scan3A_83, %mul3A_84 : i32
        %get3A_86 = arith.index_cast %mul3A_85 : i32 to index
        %get3A_87 = tpu.vector_load %arg4[%get3A_86] {strides = array<i32>} : memref<1024xf32, #tpu.memory_space<vmem>>, vector<16xf32>,
        %bitcast3A_88 = vector.bitcast %get3A_87 : vector<16xf32> to vector<16xi32>
        %shift_right_logical3A_89 = arith.constant 31 : i32
        %shift_right_logical3A_90 = vector.broadcast %shift_right_logical3A_89 : i32 to vector<16xi32>
        %shift_right_logical3A_91 = arith.shrui %bitcast3A_88, %shift_right_logical3A_90 : vector<16xi32>
        %mul3A_92 = arith.constant 2147483647 : i32
        %mul3A_93 = vector.broadcast %mul3A_92 : i32 to vector<16xi32>
        %mul3A_94 = arith.muli %shift_right_logical3A_91, %mul3A_93 : vector<16xi32>
        %add3A_95 = arith.constant -2147483648 : i32
        %add3A_96 = vector.broadcast %add3A_95 : i32 to vector<16xi32>
        %add3A_97 = arith.addi %mul3A_94, %add3A_96 : vector<16xi32>
        %xor3A_98 = arith.xori %bitcast3A_88, %add3A_97 : vector<16xi32>
        %mul3A_99 = arith.constant 16 : i32
        %mul3A_100 = arith.muli %scan3A_83, %mul3A_99 : i32
        %swap3A_101 = arith.index_cast %mul3A_100 : i32 to index
        %swap3A_102 = tpu.vector_load %arg5[%swap3A_101] {strides = array<i32>} : memref<1024xi32, #tpu.memory_space<vmem>>, vector<16xi32>,
        tpu.vector_store %arg5[%swap3A_101], %xor3A_98 {strides = array<i32>} : memref<1024xi32, #tpu.memory_space<vmem>>, vector<16xi32>,
        %scan3A_103 = arith.constant 3 : i32
        %scan3A_104 = arith.addi %scan3A_46, %scan3A_103 : i32
        %mul3A_105 = arith.constant 16 : i32
        %mul3A_106 = arith.muli %scan3A_104, %mul3A_105 : i32
        %get3A_107 = arith.index_cast %mul3A_106 : i32 to index
        %get3A_108 = tpu.vector_load %arg4[%get3A_107] {strides = array<i32>} : memref<1024xf32, #tpu.memory_space<vmem>>, vector<16xf32>,
        %bitcast3A_109 = vector.bitcast %get3A_108 : vector<16xf32> to vector<16xi32>
        %shift_right_logical3A_110 = arith.constant 31 : i32
        %shift_right_logical3A_111 = vector.broadcast %shift_right_logical3A_110 : i32 to vector<16xi32>
        %shift_right_logical3A_112 = arith.shrui %bitcast3A_109, %shift_right_logical3A_111 : vector<16xi32>
        %mul3A_113 = arith.constant 2147483647 : i32
        %mul3A_114 = vector.broadcast %mul3A_113 : i32 to vector<16xi32>
        %mul3A_115 = arith.muli %shift_right_logical3A_112, %mul3A_114 : vector<16xi32>
        %add3A_116 = arith.constant -2147483648 : i32
        %add3A_117 = vector.broadcast %add3A_116 : i32 to vector<16xi32>
        %add3A_118 = arith.addi %mul3A_115, %add3A_117 : vector<16xi32>
        %xor3A_119 = arith.xori %bitcast3A_109, %add3A_118 : vector<16xi32>
        %mul3A_120 = arith.constant 16 : i32
        %mul3A_121 = arith.muli %scan3A_104, %mul3A_120 : i32
        %swap3A_122 = arith.index_cast %mul3A_121 : i32 to index
        %swap3A_123 = tpu.vector_load %arg5[%swap3A_122] {strides = array<i32>} : memref<1024xi32, #tpu.memory_space<vmem>>, vector<16xi32>,
        tpu.vector_store %arg5[%swap3A_122], %xor3A_119 {strides = array<i32>} : memref<1024xi32, #tpu.memory_space<vmem>>, vector<16xi32>,
        %scan3A_124 = arith.constant 4 : i32
        %scan3A_125 = arith.addi %scan3A_46, %scan3A_124 : i32
        %mul3A_126 = arith.constant 16 : i32
        %mul3A_127 = arith.muli %scan3A_125, %mul3A_126 : i32
        %get3A_128 = arith.index_cast %mul3A_127 : i32 to index
        %get3A_129 = tpu.vector_load %arg4[%get3A_128] {strides = array<i32>} : memref<1024xf32, #tpu.memory_space<vmem>>, vector<16xf32>,
        %bitcast3A_130 = vector.bitcast %get3A_129 : vector<16xf32> to vector<16xi32>
        %shift_right_logical3A_131 = arith.constant 31 : i32
        %shift_right_logical3A_132 = vector.broadcast %shift_right_logical3A_131 : i32 to vector<16xi32>
        %shift_right_logical3A_133 = arith.shrui %bitcast3A_130, %shift_right_logical3A_132 : vector<16xi32>
        %mul3A_134 = arith.constant 2147483647 : i32
        %mul3A_135 = vector.broadcast %mul3A_134 : i32 to vector<16xi32>
        %mul3A_136 = arith.muli %shift_right_logical3A_133, %mul3A_135 : vector<16xi32>
        %add3A_137 = arith.constant -2147483648 : i32
        %add3A_138 = vector.broadcast %add3A_137 : i32 to vector<16xi32>
        %add3A_139 = arith.addi %mul3A_136, %add3A_138 : vector<16xi32>
        %xor3A_140 = arith.xori %bitcast3A_130, %add3A_139 : vector<16xi32>
        %mul3A_141 = arith.constant 16 : i32
        %mul3A_142 = arith.muli %scan3A_125, %mul3A_141 : i32
        %swap3A_143 = arith.index_cast %mul3A_142 : i32 to index
        %swap3A_144 = tpu.vector_load %arg5[%swap3A_143] {strides = array<i32>} : memref<1024xi32, #tpu.memory_space<vmem>>, vector<16xi32>,
        tpu.vector_store %arg5[%swap3A_143], %xor3A_140 {strides = array<i32>} : memref<1024xi32, #tpu.memory_space<vmem>>, vector<16xi32>,
        %scan3A_145 = arith.constant 5 : i32
        %scan3A_146 = arith.addi %scan3A_46, %scan3A_145 : i32
        %mul3A_147 = arith.constant 16 : i32
        %mul3A_148 = arith.muli %scan3A_146, %mul3A_147 : i32
        %get3A_149 = arith.index_cast %mul3A_148 : i32 to index
        %get3A_150 = tpu.vector_load %arg4[%get3A_149] {strides = array<i32>} : memref<1024xf32, #tpu.memory_space<vmem>>, vector<16xf32>,
        %bitcast3A_151 = vector.bitcast %get3A_150 : vector<16xf32> to vector<16xi32>
        %shift_right_logical3A_152 = arith.constant 31 : i32
        %shift_right_logical3A_153 = vector.broadcast %shift_right_logical3A_152 : i32 to vector<16xi32>
        %shift_right_logical3A_154 = arith.shrui %bitcast3A_151, %shift_right_logical3A_153 : vector<16xi32>
        %mul3A_155 = arith.constant 2147483647 : i32
        %mul3A_156 = vector.broadcast %mul3A_155 : i32 to vector<16xi32>
        %mul3A_157 = arith.muli %shift_right_logical3A_154, %mul3A_156 : vector<16xi32>
        %add3A_158 = arith.constant -2147483648 : i32
        %add3A_159 = vector.broadcast %add3A_158 : i32 to vector<16xi32>
        %add3A_160 = arith.addi %mul3A_157, %add3A_159 : vector<16xi32>
        %xor3A_161 = arith.xori %bitcast3A_151, %add3A_160 : vector<16xi32>
        %mul3A_162 = arith.constant 16 : i32
        %mul3A_163 = arith.muli %scan3A_146, %mul3A_162 : i32
        %swap3A_164 = arith.index_cast %mul3A_163 : i32 to index
        %swap3A_165 = tpu.vector_load %arg5[%swap3A_164] {strides = array<i32>} : memref<1024xi32, #tpu.memory_space<vmem>>, vector<16xi32>,
        tpu.vector_store %arg5[%swap3A_164], %xor3A_161 {strides = array<i32>} : memref<1024xi32, #tpu.memory_space<vmem>>, vector<16xi32>,
        %scan3A_166 = arith.constant 6 : i32
        %scan3A_167 = arith.addi %scan3A_46, %scan3A_166 : i32
        %mul3A_168 = arith.constant 16 : i32
        %mul3A_169 = arith.muli %scan3A_167, %mul3A_168 : i32
        %get3A_170 = arith.index_cast %mul3A_169 : i32 to index
        %get3A_171 = tpu.vector_load %arg4[%get3A_170] {strides = array<i32>} : memref<1024xf32, #tpu.memory_space<vmem>>, vector<16xf32>,
        %bitcast3A_172 = vector.bitcast %get3A_171 : vector<16xf32> to vector<16xi32>
        %shift_right_logical3A_173 = arith.constant 31 : i32
        %shift_right_logical3A_174 = vector.broadcast %shift_right_logical3A_173 : i32 to vector<16xi32>
        %shift_right_logical3A_175 = arith.shrui %bitcast3A_172, %shift_right_logical3A_174 : vector<16xi32>
        %mul3A_176 = arith.constant 2147483647 : i32
        %mul3A_177 = vector.broadcast %mul3A_176 : i32 to vector<16xi32>
        %mul3A_178 = arith.muli %shift_right_logical3A_175, %mul3A_177 : vector<16xi32>
        %add3A_179 = arith.constant -2147483648 : i32
        %add3A_180 = vector.broadcast %add3A_179 : i32 to vector<16xi32>
        %add3A_181 = arith.addi %mul3A_178, %add3A_180 : vector<16xi32>
        %xor3A_182 = arith.xori %bitcast3A_172, %add3A_181 : vector<16xi32>
        %mul3A_183 = arith.constant 16 : i32
        %mul3A_184 = arith.muli %scan3A_167, %mul3A_183 : i32
        %swap3A_185 = arith.index_cast %mul3A_184 : i32 to index
        %swap3A_186 = tpu.vector_load %arg5[%swap3A_185] {strides = array<i32>} : memref<1024xi32, #tpu.memory_space<vmem>>, vector<16xi32>,
        tpu.vector_store %arg5[%swap3A_185], %xor3A_182 {strides = array<i32>} : memref<1024xi32, #tpu.memory_space<vmem>>, vector<16xi32>,
        %scan3A_187 = arith.constant 7 : i32
        %scan3A_188 = arith.addi %scan3A_46, %scan3A_187 : i32
        %mul3A_189 = arith.constant 16 : i32
        %mul3A_190 = arith.muli %scan3A_188, %mul3A_189 : i32
        %get3A_191 = arith.index_cast %mul3A_190 : i32 to index
        %get3A_192 = tpu.vector_load %arg4[%get3A_191] {strides = array<i32>} : memref<1024xf32, #tpu.memory_space<vmem>>, vector<16xf32>,
        %bitcast3A_193 = vector.bitcast %get3A_192 : vector<16xf32> to vector<16xi32>
        %shift_right_logical3A_194 = arith.constant 31 : i32
        %shift_right_logical3A_195 = vector.broadcast %shift_right_logical3A_194 : i32 to vector<16xi32>
        %shift_right_logical3A_196 = arith.shrui %bitcast3A_193, %shift_right_logical3A_195 : vector<16xi32>
        %mul3A_197 = arith.constant 2147483647 : i32
        %mul3A_198 = vector.broadcast %mul3A_197 : i32 to vector<16xi32>
        %mul3A_199 = arith.muli %shift_right_logical3A_196, %mul3A_198 : vector<16xi32>
        %add3A_200 = arith.constant -2147483648 : i32
        %add3A_201 = vector.broadcast %add3A_200 : i32 to vector<16xi32>
        %add3A_202 = arith.addi %mul3A_199, %add3A_201 : vector<16xi32>
        %xor3A_203 = arith.xori %bitcast3A_193, %add3A_202 : vector<16xi32>
        %mul3A_204 = arith.constant 16 : i32
        %mul3A_205 = arith.muli %scan3A_188, %mul3A_204 : i32
        %swap3A_206 = arith.index_cast %mul3A_205 : i32 to index
        %swap3A_207 = tpu.vector_load %arg5[%swap3A_206] {strides = array<i32>} : memref<1024xi32, #tpu.memory_space<vmem>>, vector<16xi32>,
        tpu.vector_store %arg5[%swap3A_206], %xor3A_203 {strides = array<i32>} : memref<1024xi32, #tpu.memory_space<vmem>>, vector<16xi32>,
      }
      %scan3A_7 = arith.constant 64 : i32
      %scan3A_8 = arith.constant 0 : i32
      %scan3A_9 = arith.constant -1 : i32
      %scan3A_10 = arith.constant 0 : i32
      %scan3A_11 = arith.constant 32 : i32
      %scan3A_12 = arith.addi %scan3A_10, %scan3A_11 : i32
      %scan3A_13 = arith.constant 1 : i32
      %scan3A_14:2 = scf.for %scan3A_46 = %scan3A_10 to %scan3A_12 step %scan3A_13 iter_args(%scan3A_47 = %scan3A_8, %scan3A_48 = %scan3A_9) -> (i32, i32)  : i32 {
        %sub3A_49 = arith.subi %scan3A_48, %scan3A_47 : i32
        %shift_right_logical3A = arith.constant 1 : i32
        %shift_right_logical3A_50 = arith.shrui %sub3A_49, %shift_right_logical3A : i32
        %add3A_51 = arith.addi %scan3A_47, %shift_right_logical3A_50 : i32
        %broadcast_in_dim3A_52 = vector.broadcast %add3A_51 : i32 to vector<16xi32>
        %broadcast_in_dim3A_53 = arith.constant 0 : i32
        %broadcast_in_dim3A_54 = vector.broadcast %broadcast_in_dim3A_53 : i32 to vector<16xi32>
        %scan3A_55 = arith.constant 0 : i32
        %scan3A_56 = arith.constant 64 : i32
        %scan3A_57 = arith.addi %scan3A_55, %scan3A_56 : i32
        %scan3A_58 = arith.constant 16 : i32
        %scan3A_59 = scf.for %scan3A_67 = %scan3A_55 to %scan3A_57 step %scan3A_58 iter_args(%scan3A_68 = %broadcast_in_dim3A_54) -> (vector<16xi32>)  : i32 {
          %mul3A_69 = arith.constant 16 : i32
          %mul3A_70 = arith.muli %scan3A_67, %mul3A_69 : i32
          %get3A = arith.index_cast %mul3A_70 : i32 to index
          %get3A_71 = tpu.vector_load %arg5[%get3A] {strides = array<i32>} : memref<1024xi32, #tpu.memory_space<vmem>>, vector<16xi32>,
          %ge3A_72 = arith.cmpi uge, %get3A_71, %broadcast_in_dim3A_52 : vector<16xi32>
          %jit3A = arith.constant 1 : i32
          %jit3A_73 = arith.constant 0 : i32
          %broadcast_in_dim3A_74 = vector.broadcast %jit3A : i32 to vector<16xi32>
          %broadcast_in_dim3A_75 = vector.broadcast %jit3A_73 : i32 to vector<16xi32>
          %select_n3A_76 = arith.select %ge3A_72, %broadcast_in_dim3A_74, %broadcast_in_dim3A_75 : vector<16xi1>, vector<16xi32>
          %add3A_77 = arith.addi %scan3A_68, %select_n3A_76 : vector<16xi32>
          %scan3A_78 = arith.constant 1 : i32
          %scan3A_79 = arith.addi %scan3A_67, %scan3A_78 : i32
          %mul3A_80 = arith.constant 16 : i32
          %mul3A_81 = arith.muli %scan3A_79, %mul3A_80 : i32
          %get3A_82 = arith.index_cast %mul3A_81 : i32 to index
          %get3A_83 = tpu.vector_load %arg5[%get3A_82] {strides = array<i32>} : memref<1024xi32, #tpu.memory_space<vmem>>, vector<16xi32>,
          %ge3A_84 = arith.cmpi uge, %get3A_83, %broadcast_in_dim3A_52 : vector<16xi32>
          %jit3A_85 = arith.constant 1 : i32
          %jit3A_86 = arith.constant 0 : i32
          %broadcast_in_dim3A_87 = vector.broadcast %jit3A_85 : i32 to vector<16xi32>
          %broadcast_in_dim3A_88 = vector.broadcast %jit3A_86 : i32 to vector<16xi32>
          %select_n3A_89 = arith.select %ge3A_84, %broadcast_in_dim3A_87, %broadcast_in_dim3A_88 : vector<16xi1>, vector<16xi32>
          %add3A_90 = arith.addi %add3A_77, %select_n3A_89 : vector<16xi32>
          %scan3A_91 = arith.constant 2 : i32
          %scan3A_92 = arith.addi %scan3A_67, %scan3A_91 : i32
          %mul3A_93 = arith.constant 16 : i32
          %mul3A_94 = arith.muli %scan3A_92, %mul3A_93 : i32
          %get3A_95 = arith.index_cast %mul3A_94 : i32 to index
          %get3A_96 = tpu.vector_load %arg5[%get3A_95] {strides = array<i32>} : memref<1024xi32, #tpu.memory_space<vmem>>, vector<16xi32>,
          %ge3A_97 = arith.cmpi uge, %get3A_96, %broadcast_in_dim3A_52 : vector<16xi32>
          %jit3A_98 = arith.constant 1 : i32
          %jit3A_99 = arith.constant 0 : i32
          %broadcast_in_dim3A_100 = vector.broadcast %jit3A_98 : i32 to vector<16xi32>
          %broadcast_in_dim3A_101 = vector.broadcast %jit3A_99 : i32 to vector<16xi32>
          %select_n3A_102 = arith.select %ge3A_97, %broadcast_in_dim3A_100, %broadcast_in_dim3A_101 : vector<16xi1>, vector<16xi32>
          %add3A_103 = arith.addi %add3A_90, %select_n3A_102 : vector<16xi32>
          %scan3A_104 = arith.constant 3 : i32
          %scan3A_105 = arith.addi %scan3A_67, %scan3A_104 : i32
          %mul3A_106 = arith.constant 16 : i32
          %mul3A_107 = arith.muli %scan3A_105, %mul3A_106 : i32
          %get3A_108 = arith.index_cast %mul3A_107 : i32 to index
          %get3A_109 = tpu.vector_load %arg5[%get3A_108] {strides = array<i32>} : memref<1024xi32, #tpu.memory_space<vmem>>, vector<16xi32>,
          %ge3A_110 = arith.cmpi uge, %get3A_109, %broadcast_in_dim3A_52 : vector<16xi32>
          %jit3A_111 = arith.constant 1 : i32
          %jit3A_112 = arith.constant 0 : i32
          %broadcast_in_dim3A_113 = vector.broadcast %jit3A_111 : i32 to vector<16xi32>
          %broadcast_in_dim3A_114 = vector.broadcast %jit3A_112 : i32 to vector<16xi32>
          %select_n3A_115 = arith.select %ge3A_110, %broadcast_in_dim3A_113, %broadcast_in_dim3A_114 : vector<16xi1>, vector<16xi32>
          %add3A_116 = arith.addi %add3A_103, %select_n3A_115 : vector<16xi32>
          %scan3A_117 = arith.constant 4 : i32
          %scan3A_118 = arith.addi %scan3A_67, %scan3A_117 : i32
          %mul3A_119 = arith.constant 16 : i32
          %mul3A_120 = arith.muli %scan3A_118, %mul3A_119 : i32
          %get3A_121 = arith.index_cast %mul3A_120 : i32 to index
          %get3A_122 = tpu.vector_load %arg5[%get3A_121] {strides = array<i32>} : memref<1024xi32, #tpu.memory_space<vmem>>, vector<16xi32>,
          %ge3A_123 = arith.cmpi uge, %get3A_122, %broadcast_in_dim3A_52 : vector<16xi32>
          %jit3A_124 = arith.constant 1 : i32
          %jit3A_125 = arith.constant 0 : i32
          %broadcast_in_dim3A_126 = vector.broadcast %jit3A_124 : i32 to vector<16xi32>
          %broadcast_in_dim3A_127 = vector.broadcast %jit3A_125 : i32 to vector<16xi32>
          %select_n3A_128 = arith.select %ge3A_123, %broadcast_in_dim3A_126, %broadcast_in_dim3A_127 : vector<16xi1>, vector<16xi32>
          %add3A_129 = arith.addi %add3A_116, %select_n3A_128 : vector<16xi32>
          %scan3A_130 = arith.constant 5 : i32
          %scan3A_131 = arith.addi %scan3A_67, %scan3A_130 : i32
          %mul3A_132 = arith.constant 16 : i32
          %mul3A_133 = arith.muli %scan3A_131, %mul3A_132 : i32
          %get3A_134 = arith.index_cast %mul3A_133 : i32 to index
          %get3A_135 = tpu.vector_load %arg5[%get3A_134] {strides = array<i32>} : memref<1024xi32, #tpu.memory_space<vmem>>, vector<16xi32>,
          %ge3A_136 = arith.cmpi uge, %get3A_135, %broadcast_in_dim3A_52 : vector<16xi32>
          %jit3A_137 = arith.constant 1 : i32
          %jit3A_138 = arith.constant 0 : i32
          %broadcast_in_dim3A_139 = vector.broadcast %jit3A_137 : i32 to vector<16xi32>
          %broadcast_in_dim3A_140 = vector.broadcast %jit3A_138 : i32 to vector<16xi32>
          %select_n3A_141 = arith.select %ge3A_136, %broadcast_in_dim3A_139, %broadcast_in_dim3A_140 : vector<16xi1>, vector<16xi32>
          %add3A_142 = arith.addi %add3A_129, %select_n3A_141 : vector<16xi32>
          %scan3A_143 = arith.constant 6 : i32
          %scan3A_144 = arith.addi %scan3A_67, %scan3A_143 : i32
          %mul3A_145 = arith.constant 16 : i32
          %mul3A_146 = arith.muli %scan3A_144, %mul3A_145 : i32
          %get3A_147 = arith.index_cast %mul3A_146 : i32 to index
          %get3A_148 = tpu.vector_load %arg5[%get3A_147] {strides = array<i32>} : memref<1024xi32, #tpu.memory_space<vmem>>, vector<16xi32>,
          %ge3A_149 = arith.cmpi uge, %get3A_148, %broadcast_in_dim3A_52 : vector<16xi32>
          %jit3A_150 = arith.constant 1 : i32
          %jit3A_151 = arith.constant 0 : i32
          %broadcast_in_dim3A_152 = vector.broadcast %jit3A_150 : i32 to vector<16xi32>
          %broadcast_in_dim3A_153 = vector.broadcast %jit3A_151 : i32 to vector<16xi32>
          %select_n3A_154 = arith.select %ge3A_149, %broadcast_in_dim3A_152, %broadcast_in_dim3A_153 : vector<16xi1>, vector<16xi32>
          %add3A_155 = arith.addi %add3A_142, %select_n3A_154 : vector<16xi32>
          %scan3A_156 = arith.constant 7 : i32
          %scan3A_157 = arith.addi %scan3A_67, %scan3A_156 : i32
          %mul3A_158 = arith.constant 16 : i32
          %mul3A_159 = arith.muli %scan3A_157, %mul3A_158 : i32
          %get3A_160 = arith.index_cast %mul3A_159 : i32 to index
          %get3A_161 = tpu.vector_load %arg5[%get3A_160] {strides = array<i32>} : memref<1024xi32, #tpu.memory_space<vmem>>, vector<16xi32>,
          %ge3A_162 = arith.cmpi uge, %get3A_161, %broadcast_in_dim3A_52 : vector<16xi32>
          %jit3A_163 = arith.constant 1 : i32
          %jit3A_164 = arith.constant 0 : i32
          %broadcast_in_dim3A_165 = vector.broadcast %jit3A_163 : i32 to vector<16xi32>
          %broadcast_in_dim3A_166 = vector.broadcast %jit3A_164 : i32 to vector<16xi32>
          %select_n3A_167 = arith.select %ge3A_162, %broadcast_in_dim3A_165, %broadcast_in_dim3A_166 : vector<16xi1>, vector<16xi32>
          %add3A_168 = arith.addi %add3A_155, %select_n3A_167 : vector<16xi32>
          %scan3A_169 = arith.constant 8 : i32
          %scan3A_170 = arith.addi %scan3A_67, %scan3A_169 : i32
          %mul3A_171 = arith.constant 16 : i32
          %mul3A_172 = arith.muli %scan3A_170, %mul3A_171 : i32
          %get3A_173 = arith.index_cast %mul3A_172 : i32 to index
          %get3A_174 = tpu.vector_load %arg5[%get3A_173] {strides = array<i32>} : memref<1024xi32, #tpu.memory_space<vmem>>, vector<16xi32>,
          %ge3A_175 = arith.cmpi uge, %get3A_174, %broadcast_in_dim3A_52 : vector<16xi32>
          %jit3A_176 = arith.constant 1 : i32
          %jit3A_177 = arith.constant 0 : i32
          %broadcast_in_dim3A_178 = vector.broadcast %jit3A_176 : i32 to vector<16xi32>
          %broadcast_in_dim3A_179 = vector.broadcast %jit3A_177 : i32 to vector<16xi32>
          %select_n3A_180 = arith.select %ge3A_175, %broadcast_in_dim3A_178, %broadcast_in_dim3A_179 : vector<16xi1>, vector<16xi32>
          %add3A_181 = arith.addi %add3A_168, %select_n3A_180 : vector<16xi32>
          %scan3A_182 = arith.constant 9 : i32
          %scan3A_183 = arith.addi %scan3A_67, %scan3A_182 : i32
          %mul3A_184 = arith.constant 16 : i32
          %mul3A_185 = arith.muli %scan3A_183, %mul3A_184 : i32
          %get3A_186 = arith.index_cast %mul3A_185 : i32 to index
          %get3A_187 = tpu.vector_load %arg5[%get3A_186] {strides = array<i32>} : memref<1024xi32, #tpu.memory_space<vmem>>, vector<16xi32>,
          %ge3A_188 = arith.cmpi uge, %get3A_187, %broadcast_in_dim3A_52 : vector<16xi32>
          %jit3A_189 = arith.constant 1 : i32
          %jit3A_190 = arith.constant 0 : i32
          %broadcast_in_dim3A_191 = vector.broadcast %jit3A_189 : i32 to vector<16xi32>
          %broadcast_in_dim3A_192 = vector.broadcast %jit3A_190 : i32 to vector<16xi32>
          %select_n3A_193 = arith.select %ge3A_188, %broadcast_in_dim3A_191, %broadcast_in_dim3A_192 : vector<16xi1>, vector<16xi32>
          %add3A_194 = arith.addi %add3A_181, %select_n3A_193 : vector<16xi32>
          %scan3A_195 = arith.constant 10 : i32
          %scan3A_196 = arith.addi %scan3A_67, %scan3A_195 : i32
          %mul3A_197 = arith.constant 16 : i32
          %mul3A_198 = arith.muli %scan3A_196, %mul3A_197 : i32
          %get3A_199 = arith.index_cast %mul3A_198 : i32 to index
          %get3A_200 = tpu.vector_load %arg5[%get3A_199] {strides = array<i32>} : memref<1024xi32, #tpu.memory_space<vmem>>, vector<16xi32>,
          %ge3A_201 = arith.cmpi uge, %get3A_200, %broadcast_in_dim3A_52 : vector<16xi32>
          %jit3A_202 = arith.constant 1 : i32
          %jit3A_203 = arith.constant 0 : i32
          %broadcast_in_dim3A_204 = vector.broadcast %jit3A_202 : i32 to vector<16xi32>
          %broadcast_in_dim3A_205 = vector.broadcast %jit3A_203 : i32 to vector<16xi32>
          %select_n3A_206 = arith.select %ge3A_201, %broadcast_in_dim3A_204, %broadcast_in_dim3A_205 : vector<16xi1>, vector<16xi32>
          %add3A_207 = arith.addi %add3A_194, %select_n3A_206 : vector<16xi32>
          %scan3A_208 = arith.constant 11 : i32
          %scan3A_209 = arith.addi %scan3A_67, %scan3A_208 : i32
          %mul3A_210 = arith.constant 16 : i32
          %mul3A_211 = arith.muli %scan3A_209, %mul3A_210 : i32
          %get3A_212 = arith.index_cast %mul3A_211 : i32 to index
          %get3A_213 = tpu.vector_load %arg5[%get3A_212] {strides = array<i32>} : memref<1024xi32, #tpu.memory_space<vmem>>, vector<16xi32>,
          %ge3A_214 = arith.cmpi uge, %get3A_213, %broadcast_in_dim3A_52 : vector<16xi32>
          %jit3A_215 = arith.constant 1 : i32
          %jit3A_216 = arith.constant 0 : i32
          %broadcast_in_dim3A_217 = vector.broadcast %jit3A_215 : i32 to vector<16xi32>
          %broadcast_in_dim3A_218 = vector.broadcast %jit3A_216 : i32 to vector<16xi32>
          %select_n3A_219 = arith.select %ge3A_214, %broadcast_in_dim3A_217, %broadcast_in_dim3A_218 : vector<16xi1>, vector<16xi32>
          %add3A_220 = arith.addi %add3A_207, %select_n3A_219 : vector<16xi32>
          %scan3A_221 = arith.constant 12 : i32
          %scan3A_222 = arith.addi %scan3A_67, %scan3A_221 : i32
          %mul3A_223 = arith.constant 16 : i32
          %mul3A_224 = arith.muli %scan3A_222, %mul3A_223 : i32
          %get3A_225 = arith.index_cast %mul3A_224 : i32 to index
          %get3A_226 = tpu.vector_load %arg5[%get3A_225] {strides = array<i32>} : memref<1024xi32, #tpu.memory_space<vmem>>, vector<16xi32>,
          %ge3A_227 = arith.cmpi uge, %get3A_226, %broadcast_in_dim3A_52 : vector<16xi32>
          %jit3A_228 = arith.constant 1 : i32
          %jit3A_229 = arith.constant 0 : i32
          %broadcast_in_dim3A_230 = vector.broadcast %jit3A_228 : i32 to vector<16xi32>
          %broadcast_in_dim3A_231 = vector.broadcast %jit3A_229 : i32 to vector<16xi32>
          %select_n3A_232 = arith.select %ge3A_227, %broadcast_in_dim3A_230, %broadcast_in_dim3A_231 : vector<16xi1>, vector<16xi32>
          %add3A_233 = arith.addi %add3A_220, %select_n3A_232 : vector<16xi32>
          %scan3A_234 = arith.constant 13 : i32
          %scan3A_235 = arith.addi %scan3A_67, %scan3A_234 : i32
          %mul3A_236 = arith.constant 16 : i32
          %mul3A_237 = arith.muli %scan3A_235, %mul3A_236 : i32
          %get3A_238 = arith.index_cast %mul3A_237 : i32 to index
          %get3A_239 = tpu.vector_load %arg5[%get3A_238] {strides = array<i32>} : memref<1024xi32, #tpu.memory_space<vmem>>, vector<16xi32>,
          %ge3A_240 = arith.cmpi uge, %get3A_239, %broadcast_in_dim3A_52 : vector<16xi32>
          %jit3A_241 = arith.constant 1 : i32
          %jit3A_242 = arith.constant 0 : i32
          %broadcast_in_dim3A_243 = vector.broadcast %jit3A_241 : i32 to vector<16xi32>
          %broadcast_in_dim3A_244 = vector.broadcast %jit3A_242 : i32 to vector<16xi32>
          %select_n3A_245 = arith.select %ge3A_240, %broadcast_in_dim3A_243, %broadcast_in_dim3A_244 : vector<16xi1>, vector<16xi32>
          %add3A_246 = arith.addi %add3A_233, %select_n3A_245 : vector<16xi32>
          %scan3A_247 = arith.constant 14 : i32
          %scan3A_248 = arith.addi %scan3A_67, %scan3A_247 : i32
          %mul3A_249 = arith.constant 16 : i32
          %mul3A_250 = arith.muli %scan3A_248, %mul3A_249 : i32
          %get3A_251 = arith.index_cast %mul3A_250 : i32 to index
          %get3A_252 = tpu.vector_load %arg5[%get3A_251] {strides = array<i32>} : memref<1024xi32, #tpu.memory_space<vmem>>, vector<16xi32>,
          %ge3A_253 = arith.cmpi uge, %get3A_252, %broadcast_in_dim3A_52 : vector<16xi32>
          %jit3A_254 = arith.constant 1 : i32
          %jit3A_255 = arith.constant 0 : i32
          %broadcast_in_dim3A_256 = vector.broadcast %jit3A_254 : i32 to vector<16xi32>
          %broadcast_in_dim3A_257 = vector.broadcast %jit3A_255 : i32 to vector<16xi32>
          %select_n3A_258 = arith.select %ge3A_253, %broadcast_in_dim3A_256, %broadcast_in_dim3A_257 : vector<16xi1>, vector<16xi32>
          %add3A_259 = arith.addi %add3A_246, %select_n3A_258 : vector<16xi32>
          %scan3A_260 = arith.constant 15 : i32
          %scan3A_261 = arith.addi %scan3A_67, %scan3A_260 : i32
          %mul3A_262 = arith.constant 16 : i32
          %mul3A_263 = arith.muli %scan3A_261, %mul3A_262 : i32
          %get3A_264 = arith.index_cast %mul3A_263 : i32 to index
          %get3A_265 = tpu.vector_load %arg5[%get3A_264] {strides = array<i32>} : memref<1024xi32, #tpu.memory_space<vmem>>, vector<16xi32>,
          %ge3A_266 = arith.cmpi uge, %get3A_265, %broadcast_in_dim3A_52 : vector<16xi32>
          %jit3A_267 = arith.constant 1 : i32
          %jit3A_268 = arith.constant 0 : i32
          %broadcast_in_dim3A_269 = vector.broadcast %jit3A_267 : i32 to vector<16xi32>
          %broadcast_in_dim3A_270 = vector.broadcast %jit3A_268 : i32 to vector<16xi32>
          %select_n3A_271 = arith.select %ge3A_266, %broadcast_in_dim3A_269, %broadcast_in_dim3A_270 : vector<16xi1>, vector<16xi32>
          %add3A_272 = arith.addi %add3A_259, %select_n3A_271 : vector<16xi32>
          scf.yield %add3A_272 : vector<16xi32>
        }
        %scan3A_60 = arith.constant 64 : i32
        %reduce_sum3A_61 = arith.constant true
        %reduce_sum3A_62 = vector.broadcast %reduce_sum3A_61 : i1 to vector<16xi1>
        %reduce_sum3A_63 = tpu.scan <sum>, %scan3A_59 masked %reduce_sum3A_62 : vector<16xi32>, vector<16xi1> -> vector<16xi32>
        %reduce_sum3A_64 = vector.extract %reduce_sum3A_63[15] : i32 from vector<16xi32>
        %ge3A = arith.constant 64 : i32
        %ge3A_65 = arith.cmpi sge, %reduce_sum3A_64, %ge3A : i32
        %select_n3A = arith.select %ge3A_65, %add3A_51, %scan3A_47 : i32
        %select_n3A_66 = arith.select %ge3A_65, %scan3A_48, %add3A_51 : i32
        scf.yield %select_n3A, %select_n3A_66 : i32, i32
      }
      %scan3A_15 = arith.constant 32 : i32
      %add3A_16 = arith.constant 1 : i32
      %add3A_17 = arith.addi %scan3A_14#0, %add3A_16 : i32
      %broadcast_in_dim3A = vector.broadcast %add3A_17 : i32 to vector<16xi32>
      %broadcast_in_dim3A_18 = arith.constant 0 : i32
      %broadcast_in_dim3A_19 = vector.broadcast %broadcast_in_dim3A_18 : i32 to vector<16xi32>
      %scan3A_20 = arith.constant 0 : i32
      %scan3A_21 = arith.constant 64 : i32
      %scan3A_22 = arith.addi %scan3A_20, %scan3A_21 : i32
      %scan3A_23 = arith.constant 16 : i32
      %scan3A_24 = scf.for %scan3A_46 = %scan3A_20 to %scan3A_22 step %scan3A_23 iter_args(%scan3A_47 = %broadcast_in_dim3A_19) -> (vector<16xi32>)  : i32 {
        %mul3A_48 = arith.constant 16 : i32
        %mul3A_49 = arith.muli %scan3A_46, %mul3A_48 : i32
        %get3A = arith.index_cast %mul3A_49 : i32 to index
        %get3A_50 = tpu.vector_load %arg5[%get3A] {strides = array<i32>} : memref<1024xi32, #tpu.memory_space<vmem>>, vector<16xi32>,
        %ge3A = arith.cmpi uge, %get3A_50, %broadcast_in_dim3A : vector<16xi32>
        %jit3A = arith.constant 1 : i32
        %jit3A_51 = arith.constant 0 : i32
        %broadcast_in_dim3A_52 = vector.broadcast %jit3A : i32 to vector<16xi32>
        %broadcast_in_dim3A_53 = vector.broadcast %jit3A_51 : i32 to vector<16xi32>
        %select_n3A = arith.select %ge3A, %broadcast_in_dim3A_52, %broadcast_in_dim3A_53 : vector<16xi1>, vector<16xi32>
        %add3A_54 = arith.addi %scan3A_47, %select_n3A : vector<16xi32>
        %scan3A_55 = arith.constant 1 : i32
        %scan3A_56 = arith.addi %scan3A_46, %scan3A_55 : i32
        %mul3A_57 = arith.constant 16 : i32
        %mul3A_58 = arith.muli %scan3A_56, %mul3A_57 : i32
        %get3A_59 = arith.index_cast %mul3A_58 : i32 to index
        %get3A_60 = tpu.vector_load %arg5[%get3A_59] {strides = array<i32>} : memref<1024xi32, #tpu.memory_space<vmem>>, vector<16xi32>,
        %ge3A_61 = arith.cmpi uge, %get3A_60, %broadcast_in_dim3A : vector<16xi32>
        %jit3A_62 = arith.constant 1 : i32
        %jit3A_63 = arith.constant 0 : i32
        %broadcast_in_dim3A_64 = vector.broadcast %jit3A_62 : i32 to vector<16xi32>
        %broadcast_in_dim3A_65 = vector.broadcast %jit3A_63 : i32 to vector<16xi32>
        %select_n3A_66 = arith.select %ge3A_61, %broadcast_in_dim3A_64, %broadcast_in_dim3A_65 : vector<16xi1>, vector<16xi32>
        %add3A_67 = arith.addi %add3A_54, %select_n3A_66 : vector<16xi32>
        %scan3A_68 = arith.constant 2 : i32
        %scan3A_69 = arith.addi %scan3A_46, %scan3A_68 : i32
        %mul3A_70 = arith.constant 16 : i32
        %mul3A_71 = arith.muli %scan3A_69, %mul3A_70 : i32
        %get3A_72 = arith.index_cast %mul3A_71 : i32 to index
        %get3A_73 = tpu.vector_load %arg5[%get3A_72] {strides = array<i32>} : memref<1024xi32, #tpu.memory_space<vmem>>, vector<16xi32>,
        %ge3A_74 = arith.cmpi uge, %get3A_73, %broadcast_in_dim3A : vector<16xi32>
        %jit3A_75 = arith.constant 1 : i32
        %jit3A_76 = arith.constant 0 : i32
        %broadcast_in_dim3A_77 = vector.broadcast %jit3A_75 : i32 to vector<16xi32>
        %broadcast_in_dim3A_78 = vector.broadcast %jit3A_76 : i32 to vector<16xi32>
        %select_n3A_79 = arith.select %ge3A_74, %broadcast_in_dim3A_77, %broadcast_in_dim3A_78 : vector<16xi1>, vector<16xi32>
        %add3A_80 = arith.addi %add3A_67, %select_n3A_79 : vector<16xi32>
        %scan3A_81 = arith.constant 3 : i32
        %scan3A_82 = arith.addi %scan3A_46, %scan3A_81 : i32
        %mul3A_83 = arith.constant 16 : i32
        %mul3A_84 = arith.muli %scan3A_82, %mul3A_83 : i32
        %get3A_85 = arith.index_cast %mul3A_84 : i32 to index
        %get3A_86 = tpu.vector_load %arg5[%get3A_85] {strides = array<i32>} : memref<1024xi32, #tpu.memory_space<vmem>>, vector<16xi32>,
        %ge3A_87 = arith.cmpi uge, %get3A_86, %broadcast_in_dim3A : vector<16xi32>
        %jit3A_88 = arith.constant 1 : i32
        %jit3A_89 = arith.constant 0 : i32
        %broadcast_in_dim3A_90 = vector.broadcast %jit3A_88 : i32 to vector<16xi32>
        %broadcast_in_dim3A_91 = vector.broadcast %jit3A_89 : i32 to vector<16xi32>
        %select_n3A_92 = arith.select %ge3A_87, %broadcast_in_dim3A_90, %broadcast_in_dim3A_91 : vector<16xi1>, vector<16xi32>
        %add3A_93 = arith.addi %add3A_80, %select_n3A_92 : vector<16xi32>
        %scan3A_94 = arith.constant 4 : i32
        %scan3A_95 = arith.addi %scan3A_46, %scan3A_94 : i32
        %mul3A_96 = arith.constant 16 : i32
        %mul3A_97 = arith.muli %scan3A_95, %mul3A_96 : i32
        %get3A_98 = arith.index_cast %mul3A_97 : i32 to index
        %get3A_99 = tpu.vector_load %arg5[%get3A_98] {strides = array<i32>} : memref<1024xi32, #tpu.memory_space<vmem>>, vector<16xi32>,
        %ge3A_100 = arith.cmpi uge, %get3A_99, %broadcast_in_dim3A : vector<16xi32>
        %jit3A_101 = arith.constant 1 : i32
        %jit3A_102 = arith.constant 0 : i32
        %broadcast_in_dim3A_103 = vector.broadcast %jit3A_101 : i32 to vector<16xi32>
        %broadcast_in_dim3A_104 = vector.broadcast %jit3A_102 : i32 to vector<16xi32>
        %select_n3A_105 = arith.select %ge3A_100, %broadcast_in_dim3A_103, %broadcast_in_dim3A_104 : vector<16xi1>, vector<16xi32>
        %add3A_106 = arith.addi %add3A_93, %select_n3A_105 : vector<16xi32>
        %scan3A_107 = arith.constant 5 : i32
        %scan3A_108 = arith.addi %scan3A_46, %scan3A_107 : i32
        %mul3A_109 = arith.constant 16 : i32
        %mul3A_110 = arith.muli %scan3A_108, %mul3A_109 : i32
        %get3A_111 = arith.index_cast %mul3A_110 : i32 to index
        %get3A_112 = tpu.vector_load %arg5[%get3A_111] {strides = array<i32>} : memref<1024xi32, #tpu.memory_space<vmem>>, vector<16xi32>,
        %ge3A_113 = arith.cmpi uge, %get3A_112, %broadcast_in_dim3A : vector<16xi32>
        %jit3A_114 = arith.constant 1 : i32
        %jit3A_115 = arith.constant 0 : i32
        %broadcast_in_dim3A_116 = vector.broadcast %jit3A_114 : i32 to vector<16xi32>
        %broadcast_in_dim3A_117 = vector.broadcast %jit3A_115 : i32 to vector<16xi32>
        %select_n3A_118 = arith.select %ge3A_113, %broadcast_in_dim3A_116, %broadcast_in_dim3A_117 : vector<16xi1>, vector<16xi32>
        %add3A_119 = arith.addi %add3A_106, %select_n3A_118 : vector<16xi32>
        %scan3A_120 = arith.constant 6 : i32
        %scan3A_121 = arith.addi %scan3A_46, %scan3A_120 : i32
        %mul3A_122 = arith.constant 16 : i32
        %mul3A_123 = arith.muli %scan3A_121, %mul3A_122 : i32
        %get3A_124 = arith.index_cast %mul3A_123 : i32 to index
        %get3A_125 = tpu.vector_load %arg5[%get3A_124] {strides = array<i32>} : memref<1024xi32, #tpu.memory_space<vmem>>, vector<16xi32>,
        %ge3A_126 = arith.cmpi uge, %get3A_125, %broadcast_in_dim3A : vector<16xi32>
        %jit3A_127 = arith.constant 1 : i32
        %jit3A_128 = arith.constant 0 : i32
        %broadcast_in_dim3A_129 = vector.broadcast %jit3A_127 : i32 to vector<16xi32>
        %broadcast_in_dim3A_130 = vector.broadcast %jit3A_128 : i32 to vector<16xi32>
        %select_n3A_131 = arith.select %ge3A_126, %broadcast_in_dim3A_129, %broadcast_in_dim3A_130 : vector<16xi1>, vector<16xi32>
        %add3A_132 = arith.addi %add3A_119, %select_n3A_131 : vector<16xi32>
        %scan3A_133 = arith.constant 7 : i32
        %scan3A_134 = arith.addi %scan3A_46, %scan3A_133 : i32
        %mul3A_135 = arith.constant 16 : i32
        %mul3A_136 = arith.muli %scan3A_134, %mul3A_135 : i32
        %get3A_137 = arith.index_cast %mul3A_136 : i32 to index
        %get3A_138 = tpu.vector_load %arg5[%get3A_137] {strides = array<i32>} : memref<1024xi32, #tpu.memory_space<vmem>>, vector<16xi32>,
        %ge3A_139 = arith.cmpi uge, %get3A_138, %broadcast_in_dim3A : vector<16xi32>
        %jit3A_140 = arith.constant 1 : i32
        %jit3A_141 = arith.constant 0 : i32
        %broadcast_in_dim3A_142 = vector.broadcast %jit3A_140 : i32 to vector<16xi32>
        %broadcast_in_dim3A_143 = vector.broadcast %jit3A_141 : i32 to vector<16xi32>
        %select_n3A_144 = arith.select %ge3A_139, %broadcast_in_dim3A_142, %broadcast_in_dim3A_143 : vector<16xi1>, vector<16xi32>
        %add3A_145 = arith.addi %add3A_132, %select_n3A_144 : vector<16xi32>
        %scan3A_146 = arith.constant 8 : i32
        %scan3A_147 = arith.addi %scan3A_46, %scan3A_146 : i32
        %mul3A_148 = arith.constant 16 : i32
        %mul3A_149 = arith.muli %scan3A_147, %mul3A_148 : i32
        %get3A_150 = arith.index_cast %mul3A_149 : i32 to index
        %get3A_151 = tpu.vector_load %arg5[%get3A_150] {strides = array<i32>} : memref<1024xi32, #tpu.memory_space<vmem>>, vector<16xi32>,
        %ge3A_152 = arith.cmpi uge, %get3A_151, %broadcast_in_dim3A : vector<16xi32>
        %jit3A_153 = arith.constant 1 : i32
        %jit3A_154 = arith.constant 0 : i32
        %broadcast_in_dim3A_155 = vector.broadcast %jit3A_153 : i32 to vector<16xi32>
        %broadcast_in_dim3A_156 = vector.broadcast %jit3A_154 : i32 to vector<16xi32>
        %select_n3A_157 = arith.select %ge3A_152, %broadcast_in_dim3A_155, %broadcast_in_dim3A_156 : vector<16xi1>, vector<16xi32>
        %add3A_158 = arith.addi %add3A_145, %select_n3A_157 : vector<16xi32>
        %scan3A_159 = arith.constant 9 : i32
        %scan3A_160 = arith.addi %scan3A_46, %scan3A_159 : i32
        %mul3A_161 = arith.constant 16 : i32
        %mul3A_162 = arith.muli %scan3A_160, %mul3A_161 : i32
        %get3A_163 = arith.index_cast %mul3A_162 : i32 to index
        %get3A_164 = tpu.vector_load %arg5[%get3A_163] {strides = array<i32>} : memref<1024xi32, #tpu.memory_space<vmem>>, vector<16xi32>,
        %ge3A_165 = arith.cmpi uge, %get3A_164, %broadcast_in_dim3A : vector<16xi32>
        %jit3A_166 = arith.constant 1 : i32
        %jit3A_167 = arith.constant 0 : i32
        %broadcast_in_dim3A_168 = vector.broadcast %jit3A_166 : i32 to vector<16xi32>
        %broadcast_in_dim3A_169 = vector.broadcast %jit3A_167 : i32 to vector<16xi32>
        %select_n3A_170 = arith.select %ge3A_165, %broadcast_in_dim3A_168, %broadcast_in_dim3A_169 : vector<16xi1>, vector<16xi32>
        %add3A_171 = arith.addi %add3A_158, %select_n3A_170 : vector<16xi32>
        %scan3A_172 = arith.constant 10 : i32
        %scan3A_173 = arith.addi %scan3A_46, %scan3A_172 : i32
        %mul3A_174 = arith.constant 16 : i32
        %mul3A_175 = arith.muli %scan3A_173, %mul3A_174 : i32
        %get3A_176 = arith.index_cast %mul3A_175 : i32 to index
        %get3A_177 = tpu.vector_load %arg5[%get3A_176] {strides = array<i32>} : memref<1024xi32, #tpu.memory_space<vmem>>, vector<16xi32>,
        %ge3A_178 = arith.cmpi uge, %get3A_177, %broadcast_in_dim3A : vector<16xi32>
        %jit3A_179 = arith.constant 1 : i32
        %jit3A_180 = arith.constant 0 : i32
        %broadcast_in_dim3A_181 = vector.broadcast %jit3A_179 : i32 to vector<16xi32>
        %broadcast_in_dim3A_182 = vector.broadcast %jit3A_180 : i32 to vector<16xi32>
        %select_n3A_183 = arith.select %ge3A_178, %broadcast_in_dim3A_181, %broadcast_in_dim3A_182 : vector<16xi1>, vector<16xi32>
        %add3A_184 = arith.addi %add3A_171, %select_n3A_183 : vector<16xi32>
        %scan3A_185 = arith.constant 11 : i32
        %scan3A_186 = arith.addi %scan3A_46, %scan3A_185 : i32
        %mul3A_187 = arith.constant 16 : i32
        %mul3A_188 = arith.muli %scan3A_186, %mul3A_187 : i32
        %get3A_189 = arith.index_cast %mul3A_188 : i32 to index
        %get3A_190 = tpu.vector_load %arg5[%get3A_189] {strides = array<i32>} : memref<1024xi32, #tpu.memory_space<vmem>>, vector<16xi32>,
        %ge3A_191 = arith.cmpi uge, %get3A_190, %broadcast_in_dim3A : vector<16xi32>
        %jit3A_192 = arith.constant 1 : i32
        %jit3A_193 = arith.constant 0 : i32
        %broadcast_in_dim3A_194 = vector.broadcast %jit3A_192 : i32 to vector<16xi32>
        %broadcast_in_dim3A_195 = vector.broadcast %jit3A_193 : i32 to vector<16xi32>
        %select_n3A_196 = arith.select %ge3A_191, %broadcast_in_dim3A_194, %broadcast_in_dim3A_195 : vector<16xi1>, vector<16xi32>
        %add3A_197 = arith.addi %add3A_184, %select_n3A_196 : vector<16xi32>
        %scan3A_198 = arith.constant 12 : i32
        %scan3A_199 = arith.addi %scan3A_46, %scan3A_198 : i32
        %mul3A_200 = arith.constant 16 : i32
        %mul3A_201 = arith.muli %scan3A_199, %mul3A_200 : i32
        %get3A_202 = arith.index_cast %mul3A_201 : i32 to index
        %get3A_203 = tpu.vector_load %arg5[%get3A_202] {strides = array<i32>} : memref<1024xi32, #tpu.memory_space<vmem>>, vector<16xi32>,
        %ge3A_204 = arith.cmpi uge, %get3A_203, %broadcast_in_dim3A : vector<16xi32>
        %jit3A_205 = arith.constant 1 : i32
        %jit3A_206 = arith.constant 0 : i32
        %broadcast_in_dim3A_207 = vector.broadcast %jit3A_205 : i32 to vector<16xi32>
        %broadcast_in_dim3A_208 = vector.broadcast %jit3A_206 : i32 to vector<16xi32>
        %select_n3A_209 = arith.select %ge3A_204, %broadcast_in_dim3A_207, %broadcast_in_dim3A_208 : vector<16xi1>, vector<16xi32>
        %add3A_210 = arith.addi %add3A_197, %select_n3A_209 : vector<16xi32>
        %scan3A_211 = arith.constant 13 : i32
        %scan3A_212 = arith.addi %scan3A_46, %scan3A_211 : i32
        %mul3A_213 = arith.constant 16 : i32
        %mul3A_214 = arith.muli %scan3A_212, %mul3A_213 : i32
        %get3A_215 = arith.index_cast %mul3A_214 : i32 to index
        %get3A_216 = tpu.vector_load %arg5[%get3A_215] {strides = array<i32>} : memref<1024xi32, #tpu.memory_space<vmem>>, vector<16xi32>,
        %ge3A_217 = arith.cmpi uge, %get3A_216, %broadcast_in_dim3A : vector<16xi32>
        %jit3A_218 = arith.constant 1 : i32
        %jit3A_219 = arith.constant 0 : i32
        %broadcast_in_dim3A_220 = vector.broadcast %jit3A_218 : i32 to vector<16xi32>
        %broadcast_in_dim3A_221 = vector.broadcast %jit3A_219 : i32 to vector<16xi32>
        %select_n3A_222 = arith.select %ge3A_217, %broadcast_in_dim3A_220, %broadcast_in_dim3A_221 : vector<16xi1>, vector<16xi32>
        %add3A_223 = arith.addi %add3A_210, %select_n3A_222 : vector<16xi32>
        %scan3A_224 = arith.constant 14 : i32
        %scan3A_225 = arith.addi %scan3A_46, %scan3A_224 : i32
        %mul3A_226 = arith.constant 16 : i32
        %mul3A_227 = arith.muli %scan3A_225, %mul3A_226 : i32
        %get3A_228 = arith.index_cast %mul3A_227 : i32 to index
        %get3A_229 = tpu.vector_load %arg5[%get3A_228] {strides = array<i32>} : memref<1024xi32, #tpu.memory_space<vmem>>, vector<16xi32>,
        %ge3A_230 = arith.cmpi uge, %get3A_229, %broadcast_in_dim3A : vector<16xi32>
        %jit3A_231 = arith.constant 1 : i32
        %jit3A_232 = arith.constant 0 : i32
        %broadcast_in_dim3A_233 = vector.broadcast %jit3A_231 : i32 to vector<16xi32>
        %broadcast_in_dim3A_234 = vector.broadcast %jit3A_232 : i32 to vector<16xi32>
        %select_n3A_235 = arith.select %ge3A_230, %broadcast_in_dim3A_233, %broadcast_in_dim3A_234 : vector<16xi1>, vector<16xi32>
        %add3A_236 = arith.addi %add3A_223, %select_n3A_235 : vector<16xi32>
        %scan3A_237 = arith.constant 15 : i32
        %scan3A_238 = arith.addi %scan3A_46, %scan3A_237 : i32
        %mul3A_239 = arith.constant 16 : i32
        %mul3A_240 = arith.muli %scan3A_238, %mul3A_239 : i32
        %get3A_241 = arith.index_cast %mul3A_240 : i32 to index
        %get3A_242 = tpu.vector_load %arg5[%get3A_241] {strides = array<i32>} : memref<1024xi32, #tpu.memory_space<vmem>>, vector<16xi32>,
        %ge3A_243 = arith.cmpi uge, %get3A_242, %broadcast_in_dim3A : vector<16xi32>
        %jit3A_244 = arith.constant 1 : i32
        %jit3A_245 = arith.constant 0 : i32
        %broadcast_in_dim3A_246 = vector.broadcast %jit3A_244 : i32 to vector<16xi32>
        %broadcast_in_dim3A_247 = vector.broadcast %jit3A_245 : i32 to vector<16xi32>
        %select_n3A_248 = arith.select %ge3A_243, %broadcast_in_dim3A_246, %broadcast_in_dim3A_247 : vector<16xi1>, vector<16xi32>
        %add3A_249 = arith.addi %add3A_236, %select_n3A_248 : vector<16xi32>
        scf.yield %add3A_249 : vector<16xi32>
      }
      %scan3A_25 = arith.constant 64 : i32
      %reduce_sum3A = arith.constant true
      %reduce_sum3A_26 = vector.broadcast %reduce_sum3A : i1 to vector<16xi1>
      %reduce_sum3A_27 = tpu.scan <sum>, %scan3A_24 masked %reduce_sum3A_26 : vector<16xi32>, vector<16xi1> -> vector<16xi32>
      %reduce_sum3A_28 = vector.extract %reduce_sum3A_27[15] : i32 from vector<16xi32>
      %sub3A = arith.constant 64 : i32
      %sub3A_29 = arith.subi %sub3A, %reduce_sum3A_28 : i32
      %broadcast_in_dim3A_30 = vector.broadcast %scan3A_14#0 : i32 to vector<16xi32>
      %scan3A_31 = arith.constant 0 : i32
      %scan3A_32 = arith.constant 1024 : i32
      %scan3A_33 = arith.constant 0 : i32
      %scan3A_34 = arith.constant 10 : i32
      %scan3A_35 = arith.addi %scan3A_33, %scan3A_34 : i32
      %scan3A_36 = arith.constant 1 : i32
      %scan3A_37:2 = scf.for %scan3A_46 = %scan3A_33 to %scan3A_35 step %scan3A_36 iter_args(%scan3A_47 = %scan3A_31, %scan3A_48 = %scan3A_32) -> (i32, i32)  : i32 {
        %add3A_49 = arith.addi %scan3A_47, %scan3A_48 : i32
        %shift_right_arithmetic3A = arith.constant 1 : i32
        %shift_right_arithmetic3A_50 = arith.shrsi %add3A_49, %shift_right_arithmetic3A : i32
        %broadcast_in_dim3A_51 = vector.broadcast %shift_right_arithmetic3A_50 : i32 to vector<16xi32>
        %broadcast_in_dim3A_52 = arith.constant 0 : i32
        %broadcast_in_dim3A_53 = vector.broadcast %broadcast_in_dim3A_52 : i32 to vector<16xi32>
        %scan3A_54 = arith.constant 0 : i32
        %scan3A_55 = arith.constant 64 : i32
        %scan3A_56 = arith.addi %scan3A_54, %scan3A_55 : i32
        %scan3A_57 = arith.constant 8 : i32
        %scan3A_58 = scf.for %scan3A_65 = %scan3A_54 to %scan3A_56 step %scan3A_57 iter_args(%scan3A_66 = %broadcast_in_dim3A_53) -> (vector<16xi32>)  : i32 {
          %mul3A_67 = arith.constant 16 : i32
          %mul3A_68 = arith.muli %scan3A_65, %mul3A_67 : i32
          %get3A = arith.index_cast %mul3A_68 : i32 to index
          %get3A_69 = tpu.vector_load %arg5[%get3A] {strides = array<i32>} : memref<1024xi32, #tpu.memory_space<vmem>>, vector<16xi32>,
          %iota3A = tpu.iota {dimensions = array<i32: 0>} : vector<16xi32>
          %mul3A_70 = arith.constant 16 : i32
          %mul3A_71 = arith.muli %scan3A_65, %mul3A_70 : i32
          %broadcast_in_dim3A_72 = vector.broadcast %mul3A_71 : i32 to vector<16xi32>
          %add3A_73 = arith.addi %iota3A, %broadcast_in_dim3A_72 : vector<16xi32>
          %eq3A = arith.cmpi eq, %get3A_69, %broadcast_in_dim3A_30 : vector<16xi32>
          %lt3A_74 = arith.cmpi slt, %add3A_73, %broadcast_in_dim3A_51 : vector<16xi32>
          %and3A = arith.andi %eq3A, %lt3A_74 : vector<16xi1>
          %jit3A = arith.constant 1 : i32
          %jit3A_75 = arith.constant 0 : i32
          %broadcast_in_dim3A_76 = vector.broadcast %jit3A : i32 to vector<16xi32>
          %broadcast_in_dim3A_77 = vector.broadcast %jit3A_75 : i32 to vector<16xi32>
          %select_n3A_78 = arith.select %and3A, %broadcast_in_dim3A_76, %broadcast_in_dim3A_77 : vector<16xi1>, vector<16xi32>
          %add3A_79 = arith.addi %scan3A_66, %select_n3A_78 : vector<16xi32>
          %scan3A_80 = arith.constant 1 : i32
          %scan3A_81 = arith.addi %scan3A_65, %scan3A_80 : i32
          %mul3A_82 = arith.constant 16 : i32
          %mul3A_83 = arith.muli %scan3A_81, %mul3A_82 : i32
          %get3A_84 = arith.index_cast %mul3A_83 : i32 to index
          %get3A_85 = tpu.vector_load %arg5[%get3A_84] {strides = array<i32>} : memref<1024xi32, #tpu.memory_space<vmem>>, vector<16xi32>,
          %iota3A_86 = tpu.iota {dimensions = array<i32: 0>} : vector<16xi32>
          %mul3A_87 = arith.constant 16 : i32
          %mul3A_88 = arith.muli %scan3A_81, %mul3A_87 : i32
          %broadcast_in_dim3A_89 = vector.broadcast %mul3A_88 : i32 to vector<16xi32>
          %add3A_90 = arith.addi %iota3A_86, %broadcast_in_dim3A_89 : vector<16xi32>
          %eq3A_91 = arith.cmpi eq, %get3A_85, %broadcast_in_dim3A_30 : vector<16xi32>
          %lt3A_92 = arith.cmpi slt, %add3A_90, %broadcast_in_dim3A_51 : vector<16xi32>
          %and3A_93 = arith.andi %eq3A_91, %lt3A_92 : vector<16xi1>
          %jit3A_94 = arith.constant 1 : i32
          %jit3A_95 = arith.constant 0 : i32
          %broadcast_in_dim3A_96 = vector.broadcast %jit3A_94 : i32 to vector<16xi32>
          %broadcast_in_dim3A_97 = vector.broadcast %jit3A_95 : i32 to vector<16xi32>
          %select_n3A_98 = arith.select %and3A_93, %broadcast_in_dim3A_96, %broadcast_in_dim3A_97 : vector<16xi1>, vector<16xi32>
          %add3A_99 = arith.addi %add3A_79, %select_n3A_98 : vector<16xi32>
          %scan3A_100 = arith.constant 2 : i32
          %scan3A_101 = arith.addi %scan3A_65, %scan3A_100 : i32
          %mul3A_102 = arith.constant 16 : i32
          %mul3A_103 = arith.muli %scan3A_101, %mul3A_102 : i32
          %get3A_104 = arith.index_cast %mul3A_103 : i32 to index
          %get3A_105 = tpu.vector_load %arg5[%get3A_104] {strides = array<i32>} : memref<1024xi32, #tpu.memory_space<vmem>>, vector<16xi32>,
          %iota3A_106 = tpu.iota {dimensions = array<i32: 0>} : vector<16xi32>
          %mul3A_107 = arith.constant 16 : i32
          %mul3A_108 = arith.muli %scan3A_101, %mul3A_107 : i32
          %broadcast_in_dim3A_109 = vector.broadcast %mul3A_108 : i32 to vector<16xi32>
          %add3A_110 = arith.addi %iota3A_106, %broadcast_in_dim3A_109 : vector<16xi32>
          %eq3A_111 = arith.cmpi eq, %get3A_105, %broadcast_in_dim3A_30 : vector<16xi32>
          %lt3A_112 = arith.cmpi slt, %add3A_110, %broadcast_in_dim3A_51 : vector<16xi32>
          %and3A_113 = arith.andi %eq3A_111, %lt3A_112 : vector<16xi1>
          %jit3A_114 = arith.constant 1 : i32
          %jit3A_115 = arith.constant 0 : i32
          %broadcast_in_dim3A_116 = vector.broadcast %jit3A_114 : i32 to vector<16xi32>
          %broadcast_in_dim3A_117 = vector.broadcast %jit3A_115 : i32 to vector<16xi32>
          %select_n3A_118 = arith.select %and3A_113, %broadcast_in_dim3A_116, %broadcast_in_dim3A_117 : vector<16xi1>, vector<16xi32>
          %add3A_119 = arith.addi %add3A_99, %select_n3A_118 : vector<16xi32>
          %scan3A_120 = arith.constant 3 : i32
          %scan3A_121 = arith.addi %scan3A_65, %scan3A_120 : i32
          %mul3A_122 = arith.constant 16 : i32
          %mul3A_123 = arith.muli %scan3A_121, %mul3A_122 : i32
          %get3A_124 = arith.index_cast %mul3A_123 : i32 to index
          %get3A_125 = tpu.vector_load %arg5[%get3A_124] {strides = array<i32>} : memref<1024xi32, #tpu.memory_space<vmem>>, vector<16xi32>,
          %iota3A_126 = tpu.iota {dimensions = array<i32: 0>} : vector<16xi32>
          %mul3A_127 = arith.constant 16 : i32
          %mul3A_128 = arith.muli %scan3A_121, %mul3A_127 : i32
          %broadcast_in_dim3A_129 = vector.broadcast %mul3A_128 : i32 to vector<16xi32>
          %add3A_130 = arith.addi %iota3A_126, %broadcast_in_dim3A_129 : vector<16xi32>
          %eq3A_131 = arith.cmpi eq, %get3A_125, %broadcast_in_dim3A_30 : vector<16xi32>
          %lt3A_132 = arith.cmpi slt, %add3A_130, %broadcast_in_dim3A_51 : vector<16xi32>
          %and3A_133 = arith.andi %eq3A_131, %lt3A_132 : vector<16xi1>
          %jit3A_134 = arith.constant 1 : i32
          %jit3A_135 = arith.constant 0 : i32
          %broadcast_in_dim3A_136 = vector.broadcast %jit3A_134 : i32 to vector<16xi32>
          %broadcast_in_dim3A_137 = vector.broadcast %jit3A_135 : i32 to vector<16xi32>
          %select_n3A_138 = arith.select %and3A_133, %broadcast_in_dim3A_136, %broadcast_in_dim3A_137 : vector<16xi1>, vector<16xi32>
          %add3A_139 = arith.addi %add3A_119, %select_n3A_138 : vector<16xi32>
          %scan3A_140 = arith.constant 4 : i32
          %scan3A_141 = arith.addi %scan3A_65, %scan3A_140 : i32
          %mul3A_142 = arith.constant 16 : i32
          %mul3A_143 = arith.muli %scan3A_141, %mul3A_142 : i32
          %get3A_144 = arith.index_cast %mul3A_143 : i32 to index
          %get3A_145 = tpu.vector_load %arg5[%get3A_144] {strides = array<i32>} : memref<1024xi32, #tpu.memory_space<vmem>>, vector<16xi32>,
          %iota3A_146 = tpu.iota {dimensions = array<i32: 0>} : vector<16xi32>
          %mul3A_147 = arith.constant 16 : i32
          %mul3A_148 = arith.muli %scan3A_141, %mul3A_147 : i32
          %broadcast_in_dim3A_149 = vector.broadcast %mul3A_148 : i32 to vector<16xi32>
          %add3A_150 = arith.addi %iota3A_146, %broadcast_in_dim3A_149 : vector<16xi32>
          %eq3A_151 = arith.cmpi eq, %get3A_145, %broadcast_in_dim3A_30 : vector<16xi32>
          %lt3A_152 = arith.cmpi slt, %add3A_150, %broadcast_in_dim3A_51 : vector<16xi32>
          %and3A_153 = arith.andi %eq3A_151, %lt3A_152 : vector<16xi1>
          %jit3A_154 = arith.constant 1 : i32
          %jit3A_155 = arith.constant 0 : i32
          %broadcast_in_dim3A_156 = vector.broadcast %jit3A_154 : i32 to vector<16xi32>
          %broadcast_in_dim3A_157 = vector.broadcast %jit3A_155 : i32 to vector<16xi32>
          %select_n3A_158 = arith.select %and3A_153, %broadcast_in_dim3A_156, %broadcast_in_dim3A_157 : vector<16xi1>, vector<16xi32>
          %add3A_159 = arith.addi %add3A_139, %select_n3A_158 : vector<16xi32>
          %scan3A_160 = arith.constant 5 : i32
          %scan3A_161 = arith.addi %scan3A_65, %scan3A_160 : i32
          %mul3A_162 = arith.constant 16 : i32
          %mul3A_163 = arith.muli %scan3A_161, %mul3A_162 : i32
          %get3A_164 = arith.index_cast %mul3A_163 : i32 to index
          %get3A_165 = tpu.vector_load %arg5[%get3A_164] {strides = array<i32>} : memref<1024xi32, #tpu.memory_space<vmem>>, vector<16xi32>,
          %iota3A_166 = tpu.iota {dimensions = array<i32: 0>} : vector<16xi32>
          %mul3A_167 = arith.constant 16 : i32
          %mul3A_168 = arith.muli %scan3A_161, %mul3A_167 : i32
          %broadcast_in_dim3A_169 = vector.broadcast %mul3A_168 : i32 to vector<16xi32>
          %add3A_170 = arith.addi %iota3A_166, %broadcast_in_dim3A_169 : vector<16xi32>
          %eq3A_171 = arith.cmpi eq, %get3A_165, %broadcast_in_dim3A_30 : vector<16xi32>
          %lt3A_172 = arith.cmpi slt, %add3A_170, %broadcast_in_dim3A_51 : vector<16xi32>
          %and3A_173 = arith.andi %eq3A_171, %lt3A_172 : vector<16xi1>
          %jit3A_174 = arith.constant 1 : i32
          %jit3A_175 = arith.constant 0 : i32
          %broadcast_in_dim3A_176 = vector.broadcast %jit3A_174 : i32 to vector<16xi32>
          %broadcast_in_dim3A_177 = vector.broadcast %jit3A_175 : i32 to vector<16xi32>
          %select_n3A_178 = arith.select %and3A_173, %broadcast_in_dim3A_176, %broadcast_in_dim3A_177 : vector<16xi1>, vector<16xi32>
          %add3A_179 = arith.addi %add3A_159, %select_n3A_178 : vector<16xi32>
          %scan3A_180 = arith.constant 6 : i32
          %scan3A_181 = arith.addi %scan3A_65, %scan3A_180 : i32
          %mul3A_182 = arith.constant 16 : i32
          %mul3A_183 = arith.muli %scan3A_181, %mul3A_182 : i32
          %get3A_184 = arith.index_cast %mul3A_183 : i32 to index
          %get3A_185 = tpu.vector_load %arg5[%get3A_184] {strides = array<i32>} : memref<1024xi32, #tpu.memory_space<vmem>>, vector<16xi32>,
          %iota3A_186 = tpu.iota {dimensions = array<i32: 0>} : vector<16xi32>
          %mul3A_187 = arith.constant 16 : i32
          %mul3A_188 = arith.muli %scan3A_181, %mul3A_187 : i32
          %broadcast_in_dim3A_189 = vector.broadcast %mul3A_188 : i32 to vector<16xi32>
          %add3A_190 = arith.addi %iota3A_186, %broadcast_in_dim3A_189 : vector<16xi32>
          %eq3A_191 = arith.cmpi eq, %get3A_185, %broadcast_in_dim3A_30 : vector<16xi32>
          %lt3A_192 = arith.cmpi slt, %add3A_190, %broadcast_in_dim3A_51 : vector<16xi32>
          %and3A_193 = arith.andi %eq3A_191, %lt3A_192 : vector<16xi1>
          %jit3A_194 = arith.constant 1 : i32
          %jit3A_195 = arith.constant 0 : i32
          %broadcast_in_dim3A_196 = vector.broadcast %jit3A_194 : i32 to vector<16xi32>
          %broadcast_in_dim3A_197 = vector.broadcast %jit3A_195 : i32 to vector<16xi32>
          %select_n3A_198 = arith.select %and3A_193, %broadcast_in_dim3A_196, %broadcast_in_dim3A_197 : vector<16xi1>, vector<16xi32>
          %add3A_199 = arith.addi %add3A_179, %select_n3A_198 : vector<16xi32>
          %scan3A_200 = arith.constant 7 : i32
          %scan3A_201 = arith.addi %scan3A_65, %scan3A_200 : i32
          %mul3A_202 = arith.constant 16 : i32
          %mul3A_203 = arith.muli %scan3A_201, %mul3A_202 : i32
          %get3A_204 = arith.index_cast %mul3A_203 : i32 to index
          %get3A_205 = tpu.vector_load %arg5[%get3A_204] {strides = array<i32>} : memref<1024xi32, #tpu.memory_space<vmem>>, vector<16xi32>,
          %iota3A_206 = tpu.iota {dimensions = array<i32: 0>} : vector<16xi32>
          %mul3A_207 = arith.constant 16 : i32
          %mul3A_208 = arith.muli %scan3A_201, %mul3A_207 : i32
          %broadcast_in_dim3A_209 = vector.broadcast %mul3A_208 : i32 to vector<16xi32>
          %add3A_210 = arith.addi %iota3A_206, %broadcast_in_dim3A_209 : vector<16xi32>
          %eq3A_211 = arith.cmpi eq, %get3A_205, %broadcast_in_dim3A_30 : vector<16xi32>
          %lt3A_212 = arith.cmpi slt, %add3A_210, %broadcast_in_dim3A_51 : vector<16xi32>
          %and3A_213 = arith.andi %eq3A_211, %lt3A_212 : vector<16xi1>
          %jit3A_214 = arith.constant 1 : i32
          %jit3A_215 = arith.constant 0 : i32
          %broadcast_in_dim3A_216 = vector.broadcast %jit3A_214 : i32 to vector<16xi32>
          %broadcast_in_dim3A_217 = vector.broadcast %jit3A_215 : i32 to vector<16xi32>
          %select_n3A_218 = arith.select %and3A_213, %broadcast_in_dim3A_216, %broadcast_in_dim3A_217 : vector<16xi1>, vector<16xi32>
          %add3A_219 = arith.addi %add3A_199, %select_n3A_218 : vector<16xi32>
          scf.yield %add3A_219 : vector<16xi32>
        }
        %scan3A_59 = arith.constant 64 : i32
        %reduce_sum3A_60 = arith.constant true
        %reduce_sum3A_61 = vector.broadcast %reduce_sum3A_60 : i1 to vector<16xi1>
        %reduce_sum3A_62 = tpu.scan <sum>, %scan3A_58 masked %reduce_sum3A_61 : vector<16xi32>, vector<16xi1> -> vector<16xi32>
        %reduce_sum3A_63 = vector.extract %reduce_sum3A_62[15] : i32 from vector<16xi32>
        %ge3A = arith.cmpi sge, %reduce_sum3A_63, %sub3A_29 : i32
        %select_n3A = arith.select %ge3A, %scan3A_47, %shift_right_arithmetic3A_50 : i32
        %select_n3A_64 = arith.select %ge3A, %shift_right_arithmetic3A_50, %scan3A_48 : i32
        scf.yield %select_n3A, %select_n3A_64 : i32, i32
      }
      %scan3A_38 = arith.constant 10 : i32
      %broadcast_in_dim3A_39 = vector.broadcast %scan3A_37#1 : i32 to vector<16xi32>
      %scan3A_40 = arith.constant 0 : i32
      %scan3A_41 = arith.constant 0 : i32
      %scan3A_42 = arith.constant 64 : i32
      %scan3A_43 = arith.addi %scan3A_41, %scan3A_42 : i32
      %scan3A_44 = arith.constant 8 : i32
      scf.for %scan3A_46 = %scan3A_41 to %scan3A_43 step %scan3A_44  : i32 {
        %mul3A_47 = arith.constant 16 : i32
        %mul3A_48 = arith.muli %scan3A_46, %mul3A_47 : i32
        %get3A = arith.index_cast %mul3A_48 : i32 to index
        %get3A_49 = tpu.vector_load %arg5[%get3A] {strides = array<i32>} : memref<1024xi32, #tpu.memory_space<vmem>>, vector<16xi32>,
        %iota3A = tpu.iota {dimensions = array<i32: 0>} : vector<16xi32>
        %mul3A_50 = arith.constant 16 : i32
        %mul3A_51 = arith.muli %scan3A_46, %mul3A_50 : i32
        %broadcast_in_dim3A_52 = vector.broadcast %mul3A_51 : i32 to vector<16xi32>
        %add3A_53 = arith.addi %iota3A, %broadcast_in_dim3A_52 : vector<16xi32>
        %gt3A = arith.cmpi ugt, %get3A_49, %broadcast_in_dim3A_30 : vector<16xi32>
        %eq3A = arith.cmpi eq, %get3A_49, %broadcast_in_dim3A_30 : vector<16xi32>
        %lt3A_54 = arith.cmpi slt, %add3A_53, %broadcast_in_dim3A_39 : vector<16xi32>
        %and3A = arith.andi %eq3A, %lt3A_54 : vector<16xi1>
        %or3A = arith.ori %gt3A, %and3A : vector<16xi1>
        %jit3A = arith.constant 1.000000e+00 : f32
        %jit3A_55 = arith.constant 0.000000e+00 : f32
        %broadcast_in_dim3A_56 = vector.broadcast %jit3A : f32 to vector<16xf32>
        %broadcast_in_dim3A_57 = vector.broadcast %jit3A_55 : f32 to vector<16xf32>
        %select_n3A = arith.select %or3A, %broadcast_in_dim3A_56, %broadcast_in_dim3A_57 : vector<16xi1>, vector<16xf32>
        %mul3A_58 = arith.constant 16 : i32
        %mul3A_59 = arith.muli %scan3A_46, %mul3A_58 : i32
        %swap3A = arith.index_cast %mul3A_59 : i32 to index
        %swap3A_60 = tpu.vector_load %arg6[%swap3A] {strides = array<i32>} : memref<1024xf32, #tpu.memory_space<vmem>>, vector<16xf32>,
        tpu.vector_store %arg6[%swap3A], %select_n3A {strides = array<i32>} : memref<1024xf32, #tpu.memory_space<vmem>>, vector<16xf32>,
        %scan3A_61 = arith.constant 1 : i32
        %scan3A_62 = arith.addi %scan3A_46, %scan3A_61 : i32
        %mul3A_63 = arith.constant 16 : i32
        %mul3A_64 = arith.muli %scan3A_62, %mul3A_63 : i32
        %get3A_65 = arith.index_cast %mul3A_64 : i32 to index
        %get3A_66 = tpu.vector_load %arg5[%get3A_65] {strides = array<i32>} : memref<1024xi32, #tpu.memory_space<vmem>>, vector<16xi32>,
        %iota3A_67 = tpu.iota {dimensions = array<i32: 0>} : vector<16xi32>
        %mul3A_68 = arith.constant 16 : i32
        %mul3A_69 = arith.muli %scan3A_62, %mul3A_68 : i32
        %broadcast_in_dim3A_70 = vector.broadcast %mul3A_69 : i32 to vector<16xi32>
        %add3A_71 = arith.addi %iota3A_67, %broadcast_in_dim3A_70 : vector<16xi32>
        %gt3A_72 = arith.cmpi ugt, %get3A_66, %broadcast_in_dim3A_30 : vector<16xi32>
        %eq3A_73 = arith.cmpi eq, %get3A_66, %broadcast_in_dim3A_30 : vector<16xi32>
        %lt3A_74 = arith.cmpi slt, %add3A_71, %broadcast_in_dim3A_39 : vector<16xi32>
        %and3A_75 = arith.andi %eq3A_73, %lt3A_74 : vector<16xi1>
        %or3A_76 = arith.ori %gt3A_72, %and3A_75 : vector<16xi1>
        %jit3A_77 = arith.constant 1.000000e+00 : f32
        %jit3A_78 = arith.constant 0.000000e+00 : f32
        %broadcast_in_dim3A_79 = vector.broadcast %jit3A_77 : f32 to vector<16xf32>
        %broadcast_in_dim3A_80 = vector.broadcast %jit3A_78 : f32 to vector<16xf32>
        %select_n3A_81 = arith.select %or3A_76, %broadcast_in_dim3A_79, %broadcast_in_dim3A_80 : vector<16xi1>, vector<16xf32>
        %mul3A_82 = arith.constant 16 : i32
        %mul3A_83 = arith.muli %scan3A_62, %mul3A_82 : i32
        %swap3A_84 = arith.index_cast %mul3A_83 : i32 to index
        %swap3A_85 = tpu.vector_load %arg6[%swap3A_84] {strides = array<i32>} : memref<1024xf32, #tpu.memory_space<vmem>>, vector<16xf32>,
        tpu.vector_store %arg6[%swap3A_84], %select_n3A_81 {strides = array<i32>} : memref<1024xf32, #tpu.memory_space<vmem>>, vector<16xf32>,
        %scan3A_86 = arith.constant 2 : i32
        %scan3A_87 = arith.addi %scan3A_46, %scan3A_86 : i32
        %mul3A_88 = arith.constant 16 : i32
        %mul3A_89 = arith.muli %scan3A_87, %mul3A_88 : i32
        %get3A_90 = arith.index_cast %mul3A_89 : i32 to index
        %get3A_91 = tpu.vector_load %arg5[%get3A_90] {strides = array<i32>} : memref<1024xi32, #tpu.memory_space<vmem>>, vector<16xi32>,
        %iota3A_92 = tpu.iota {dimensions = array<i32: 0>} : vector<16xi32>
        %mul3A_93 = arith.constant 16 : i32
        %mul3A_94 = arith.muli %scan3A_87, %mul3A_93 : i32
        %broadcast_in_dim3A_95 = vector.broadcast %mul3A_94 : i32 to vector<16xi32>
        %add3A_96 = arith.addi %iota3A_92, %broadcast_in_dim3A_95 : vector<16xi32>
        %gt3A_97 = arith.cmpi ugt, %get3A_91, %broadcast_in_dim3A_30 : vector<16xi32>
        %eq3A_98 = arith.cmpi eq, %get3A_91, %broadcast_in_dim3A_30 : vector<16xi32>
        %lt3A_99 = arith.cmpi slt, %add3A_96, %broadcast_in_dim3A_39 : vector<16xi32>
        %and3A_100 = arith.andi %eq3A_98, %lt3A_99 : vector<16xi1>
        %or3A_101 = arith.ori %gt3A_97, %and3A_100 : vector<16xi1>
        %jit3A_102 = arith.constant 1.000000e+00 : f32
        %jit3A_103 = arith.constant 0.000000e+00 : f32
        %broadcast_in_dim3A_104 = vector.broadcast %jit3A_102 : f32 to vector<16xf32>
        %broadcast_in_dim3A_105 = vector.broadcast %jit3A_103 : f32 to vector<16xf32>
        %select_n3A_106 = arith.select %or3A_101, %broadcast_in_dim3A_104, %broadcast_in_dim3A_105 : vector<16xi1>, vector<16xf32>
        %mul3A_107 = arith.constant 16 : i32
        %mul3A_108 = arith.muli %scan3A_87, %mul3A_107 : i32
        %swap3A_109 = arith.index_cast %mul3A_108 : i32 to index
        %swap3A_110 = tpu.vector_load %arg6[%swap3A_109] {strides = array<i32>} : memref<1024xf32, #tpu.memory_space<vmem>>, vector<16xf32>,
        tpu.vector_store %arg6[%swap3A_109], %select_n3A_106 {strides = array<i32>} : memref<1024xf32, #tpu.memory_space<vmem>>, vector<16xf32>,
        %scan3A_111 = arith.constant 3 : i32
        %scan3A_112 = arith.addi %scan3A_46, %scan3A_111 : i32
        %mul3A_113 = arith.constant 16 : i32
        %mul3A_114 = arith.muli %scan3A_112, %mul3A_113 : i32
        %get3A_115 = arith.index_cast %mul3A_114 : i32 to index
        %get3A_116 = tpu.vector_load %arg5[%get3A_115] {strides = array<i32>} : memref<1024xi32, #tpu.memory_space<vmem>>, vector<16xi32>,
        %iota3A_117 = tpu.iota {dimensions = array<i32: 0>} : vector<16xi32>
        %mul3A_118 = arith.constant 16 : i32
        %mul3A_119 = arith.muli %scan3A_112, %mul3A_118 : i32
        %broadcast_in_dim3A_120 = vector.broadcast %mul3A_119 : i32 to vector<16xi32>
        %add3A_121 = arith.addi %iota3A_117, %broadcast_in_dim3A_120 : vector<16xi32>
        %gt3A_122 = arith.cmpi ugt, %get3A_116, %broadcast_in_dim3A_30 : vector<16xi32>
        %eq3A_123 = arith.cmpi eq, %get3A_116, %broadcast_in_dim3A_30 : vector<16xi32>
        %lt3A_124 = arith.cmpi slt, %add3A_121, %broadcast_in_dim3A_39 : vector<16xi32>
        %and3A_125 = arith.andi %eq3A_123, %lt3A_124 : vector<16xi1>
        %or3A_126 = arith.ori %gt3A_122, %and3A_125 : vector<16xi1>
        %jit3A_127 = arith.constant 1.000000e+00 : f32
        %jit3A_128 = arith.constant 0.000000e+00 : f32
        %broadcast_in_dim3A_129 = vector.broadcast %jit3A_127 : f32 to vector<16xf32>
        %broadcast_in_dim3A_130 = vector.broadcast %jit3A_128 : f32 to vector<16xf32>
        %select_n3A_131 = arith.select %or3A_126, %broadcast_in_dim3A_129, %broadcast_in_dim3A_130 : vector<16xi1>, vector<16xf32>
        %mul3A_132 = arith.constant 16 : i32
        %mul3A_133 = arith.muli %scan3A_112, %mul3A_132 : i32
        %swap3A_134 = arith.index_cast %mul3A_133 : i32 to index
        %swap3A_135 = tpu.vector_load %arg6[%swap3A_134] {strides = array<i32>} : memref<1024xf32, #tpu.memory_space<vmem>>, vector<16xf32>,
        tpu.vector_store %arg6[%swap3A_134], %select_n3A_131 {strides = array<i32>} : memref<1024xf32, #tpu.memory_space<vmem>>, vector<16xf32>,
        %scan3A_136 = arith.constant 4 : i32
        %scan3A_137 = arith.addi %scan3A_46, %scan3A_136 : i32
        %mul3A_138 = arith.constant 16 : i32
        %mul3A_139 = arith.muli %scan3A_137, %mul3A_138 : i32
        %get3A_140 = arith.index_cast %mul3A_139 : i32 to index
        %get3A_141 = tpu.vector_load %arg5[%get3A_140] {strides = array<i32>} : memref<1024xi32, #tpu.memory_space<vmem>>, vector<16xi32>,
        %iota3A_142 = tpu.iota {dimensions = array<i32: 0>} : vector<16xi32>
        %mul3A_143 = arith.constant 16 : i32
        %mul3A_144 = arith.muli %scan3A_137, %mul3A_143 : i32
        %broadcast_in_dim3A_145 = vector.broadcast %mul3A_144 : i32 to vector<16xi32>
        %add3A_146 = arith.addi %iota3A_142, %broadcast_in_dim3A_145 : vector<16xi32>
        %gt3A_147 = arith.cmpi ugt, %get3A_141, %broadcast_in_dim3A_30 : vector<16xi32>
        %eq3A_148 = arith.cmpi eq, %get3A_141, %broadcast_in_dim3A_30 : vector<16xi32>
        %lt3A_149 = arith.cmpi slt, %add3A_146, %broadcast_in_dim3A_39 : vector<16xi32>
        %and3A_150 = arith.andi %eq3A_148, %lt3A_149 : vector<16xi1>
        %or3A_151 = arith.ori %gt3A_147, %and3A_150 : vector<16xi1>
        %jit3A_152 = arith.constant 1.000000e+00 : f32
        %jit3A_153 = arith.constant 0.000000e+00 : f32
        %broadcast_in_dim3A_154 = vector.broadcast %jit3A_152 : f32 to vector<16xf32>
        %broadcast_in_dim3A_155 = vector.broadcast %jit3A_153 : f32 to vector<16xf32>
        %select_n3A_156 = arith.select %or3A_151, %broadcast_in_dim3A_154, %broadcast_in_dim3A_155 : vector<16xi1>, vector<16xf32>
        %mul3A_157 = arith.constant 16 : i32
        %mul3A_158 = arith.muli %scan3A_137, %mul3A_157 : i32
        %swap3A_159 = arith.index_cast %mul3A_158 : i32 to index
        %swap3A_160 = tpu.vector_load %arg6[%swap3A_159] {strides = array<i32>} : memref<1024xf32, #tpu.memory_space<vmem>>, vector<16xf32>,
        tpu.vector_store %arg6[%swap3A_159], %select_n3A_156 {strides = array<i32>} : memref<1024xf32, #tpu.memory_space<vmem>>, vector<16xf32>,
        %scan3A_161 = arith.constant 5 : i32
        %scan3A_162 = arith.addi %scan3A_46, %scan3A_161 : i32
        %mul3A_163 = arith.constant 16 : i32
        %mul3A_164 = arith.muli %scan3A_162, %mul3A_163 : i32
        %get3A_165 = arith.index_cast %mul3A_164 : i32 to index
        %get3A_166 = tpu.vector_load %arg5[%get3A_165] {strides = array<i32>} : memref<1024xi32, #tpu.memory_space<vmem>>, vector<16xi32>,
        %iota3A_167 = tpu.iota {dimensions = array<i32: 0>} : vector<16xi32>
        %mul3A_168 = arith.constant 16 : i32
        %mul3A_169 = arith.muli %scan3A_162, %mul3A_168 : i32
        %broadcast_in_dim3A_170 = vector.broadcast %mul3A_169 : i32 to vector<16xi32>
        %add3A_171 = arith.addi %iota3A_167, %broadcast_in_dim3A_170 : vector<16xi32>
        %gt3A_172 = arith.cmpi ugt, %get3A_166, %broadcast_in_dim3A_30 : vector<16xi32>
        %eq3A_173 = arith.cmpi eq, %get3A_166, %broadcast_in_dim3A_30 : vector<16xi32>
        %lt3A_174 = arith.cmpi slt, %add3A_171, %broadcast_in_dim3A_39 : vector<16xi32>
        %and3A_175 = arith.andi %eq3A_173, %lt3A_174 : vector<16xi1>
        %or3A_176 = arith.ori %gt3A_172, %and3A_175 : vector<16xi1>
        %jit3A_177 = arith.constant 1.000000e+00 : f32
        %jit3A_178 = arith.constant 0.000000e+00 : f32
        %broadcast_in_dim3A_179 = vector.broadcast %jit3A_177 : f32 to vector<16xf32>
        %broadcast_in_dim3A_180 = vector.broadcast %jit3A_178 : f32 to vector<16xf32>
        %select_n3A_181 = arith.select %or3A_176, %broadcast_in_dim3A_179, %broadcast_in_dim3A_180 : vector<16xi1>, vector<16xf32>
        %mul3A_182 = arith.constant 16 : i32
        %mul3A_183 = arith.muli %scan3A_162, %mul3A_182 : i32
        %swap3A_184 = arith.index_cast %mul3A_183 : i32 to index
        %swap3A_185 = tpu.vector_load %arg6[%swap3A_184] {strides = array<i32>} : memref<1024xf32, #tpu.memory_space<vmem>>, vector<16xf32>,
        tpu.vector_store %arg6[%swap3A_184], %select_n3A_181 {strides = array<i32>} : memref<1024xf32, #tpu.memory_space<vmem>>, vector<16xf32>,
        %scan3A_186 = arith.constant 6 : i32
        %scan3A_187 = arith.addi %scan3A_46, %scan3A_186 : i32
        %mul3A_188 = arith.constant 16 : i32
        %mul3A_189 = arith.muli %scan3A_187, %mul3A_188 : i32
        %get3A_190 = arith.index_cast %mul3A_189 : i32 to index
        %get3A_191 = tpu.vector_load %arg5[%get3A_190] {strides = array<i32>} : memref<1024xi32, #tpu.memory_space<vmem>>, vector<16xi32>,
        %iota3A_192 = tpu.iota {dimensions = array<i32: 0>} : vector<16xi32>
        %mul3A_193 = arith.constant 16 : i32
        %mul3A_194 = arith.muli %scan3A_187, %mul3A_193 : i32
        %broadcast_in_dim3A_195 = vector.broadcast %mul3A_194 : i32 to vector<16xi32>
        %add3A_196 = arith.addi %iota3A_192, %broadcast_in_dim3A_195 : vector<16xi32>
        %gt3A_197 = arith.cmpi ugt, %get3A_191, %broadcast_in_dim3A_30 : vector<16xi32>
        %eq3A_198 = arith.cmpi eq, %get3A_191, %broadcast_in_dim3A_30 : vector<16xi32>
        %lt3A_199 = arith.cmpi slt, %add3A_196, %broadcast_in_dim3A_39 : vector<16xi32>
        %and3A_200 = arith.andi %eq3A_198, %lt3A_199 : vector<16xi1>
        %or3A_201 = arith.ori %gt3A_197, %and3A_200 : vector<16xi1>
        %jit3A_202 = arith.constant 1.000000e+00 : f32
        %jit3A_203 = arith.constant 0.000000e+00 : f32
        %broadcast_in_dim3A_204 = vector.broadcast %jit3A_202 : f32 to vector<16xf32>
        %broadcast_in_dim3A_205 = vector.broadcast %jit3A_203 : f32 to vector<16xf32>
        %select_n3A_206 = arith.select %or3A_201, %broadcast_in_dim3A_204, %broadcast_in_dim3A_205 : vector<16xi1>, vector<16xf32>
        %mul3A_207 = arith.constant 16 : i32
        %mul3A_208 = arith.muli %scan3A_187, %mul3A_207 : i32
        %swap3A_209 = arith.index_cast %mul3A_208 : i32 to index
        %swap3A_210 = tpu.vector_load %arg6[%swap3A_209] {strides = array<i32>} : memref<1024xf32, #tpu.memory_space<vmem>>, vector<16xf32>,
        tpu.vector_store %arg6[%swap3A_209], %select_n3A_206 {strides = array<i32>} : memref<1024xf32, #tpu.memory_space<vmem>>, vector<16xf32>,
        %scan3A_211 = arith.constant 7 : i32
        %scan3A_212 = arith.addi %scan3A_46, %scan3A_211 : i32
        %mul3A_213 = arith.constant 16 : i32
        %mul3A_214 = arith.muli %scan3A_212, %mul3A_213 : i32
        %get3A_215 = arith.index_cast %mul3A_214 : i32 to index
        %get3A_216 = tpu.vector_load %arg5[%get3A_215] {strides = array<i32>} : memref<1024xi32, #tpu.memory_space<vmem>>, vector<16xi32>,
        %iota3A_217 = tpu.iota {dimensions = array<i32: 0>} : vector<16xi32>
        %mul3A_218 = arith.constant 16 : i32
        %mul3A_219 = arith.muli %scan3A_212, %mul3A_218 : i32
        %broadcast_in_dim3A_220 = vector.broadcast %mul3A_219 : i32 to vector<16xi32>
        %add3A_221 = arith.addi %iota3A_217, %broadcast_in_dim3A_220 : vector<16xi32>
        %gt3A_222 = arith.cmpi ugt, %get3A_216, %broadcast_in_dim3A_30 : vector<16xi32>
        %eq3A_223 = arith.cmpi eq, %get3A_216, %broadcast_in_dim3A_30 : vector<16xi32>
        %lt3A_224 = arith.cmpi slt, %add3A_221, %broadcast_in_dim3A_39 : vector<16xi32>
        %and3A_225 = arith.andi %eq3A_223, %lt3A_224 : vector<16xi1>
        %or3A_226 = arith.ori %gt3A_222, %and3A_225 : vector<16xi1>
        %jit3A_227 = arith.constant 1.000000e+00 : f32
        %jit3A_228 = arith.constant 0.000000e+00 : f32
        %broadcast_in_dim3A_229 = vector.broadcast %jit3A_227 : f32 to vector<16xf32>
        %broadcast_in_dim3A_230 = vector.broadcast %jit3A_228 : f32 to vector<16xf32>
        %select_n3A_231 = arith.select %or3A_226, %broadcast_in_dim3A_229, %broadcast_in_dim3A_230 : vector<16xi1>, vector<16xf32>
        %mul3A_232 = arith.constant 16 : i32
        %mul3A_233 = arith.muli %scan3A_212, %mul3A_232 : i32
        %swap3A_234 = arith.index_cast %mul3A_233 : i32 to index
        %swap3A_235 = tpu.vector_load %arg6[%swap3A_234] {strides = array<i32>} : memref<1024xf32, #tpu.memory_space<vmem>>, vector<16xf32>,
        tpu.vector_store %arg6[%swap3A_234], %select_n3A_231 {strides = array<i32>} : memref<1024xf32, #tpu.memory_space<vmem>>, vector<16xf32>,
      }
      %scan3A_45 = arith.constant 64 : i32
      "tpu.region"() ({
        %run_scoped3A = tpu.sem_alloc : memref<!tpu.dma_semaphore, #tpu.memory_space<semaphore_mem>>
        %dma_start3A = arith.constant 0 : i32
        %dma_start3A_46 = tpu.memref_slice %arg3[%add3A, %dma_start3A] : memref<8x1024xf32, #tpu.memory_space<hbm>> -> memref<1x1024xf32, #tpu.memory_space<hbm>>
        %dma_start3A_47 = tpu.memref_squeeze %dma_start3A_46 : memref<1x1024xf32, #tpu.memory_space<hbm>> -> memref<1024xf32, #tpu.memory_space<hbm>>
        %dma_start3A_48 = arith.constant 0 : i32
        %dma_start3A_49 = tpu.memref_slice %arg3[%add3A, %dma_start3A_48] : memref<8x1024xf32, #tpu.memory_space<hbm>> -> memref<1x1024xf32, #tpu.memory_space<hbm>>
        %dma_start3A_50 = tpu.memref_squeeze %dma_start3A_49 : memref<1x1024xf32, #tpu.memory_space<hbm>> -> memref<1024xf32, #tpu.memory_space<hbm>>
        tpu.enqueue_dma source(%arg6 : memref<1024xf32, #tpu.memory_space<vmem>>) target(%dma_start3A_50 : memref<1024xf32, #tpu.memory_space<hbm>>) target_semaphore(%run_scoped3A : memref<!tpu.dma_semaphore, #tpu.memory_space<semaphore_mem>>)
        %dma_wait3A = arith.constant 0 : i32
        %dma_wait3A_51 = tpu.memref_slice %arg3[%add3A, %dma_wait3A] : memref<8x1024xf32, #tpu.memory_space<hbm>> -> memref<1x1024xf32, #tpu.memory_space<hbm>>
        %dma_wait3A_52 = tpu.memref_squeeze %dma_wait3A_51 : memref<1x1024xf32, #tpu.memory_space<hbm>> -> memref<1024xf32, #tpu.memory_space<hbm>>
        %dma_wait3A_53 = arith.constant 0 : i32
        %dma_wait3A_54 = tpu.memref_slice %arg3[%add3A, %dma_wait3A_53] : memref<8x1024xf32, #tpu.memory_space<hbm>> -> memref<1x1024xf32, #tpu.memory_space<hbm>>
        %dma_wait3A_55 = tpu.memref_squeeze %dma_wait3A_54 : memref<1x1024xf32, #tpu.memory_space<hbm>> -> memref<1024xf32, #tpu.memory_space<hbm>>
        tpu.wait_dma2 semaphore(%run_scoped3A : memref<!tpu.dma_semaphore, #tpu.memory_space<semaphore_mem>>) src(%arg6 : memref<1024xf32, #tpu.memory_space<vmem>>) dst(%dma_wait3A_55 : memref<1024xf32, #tpu.memory_space<hbm>>)
        tpu.yield
      }) : () -> ()
    } else {
    }
    return
  }
}

module attributes {stable_mosaic.version = 14 : i64} {
  func.func @_main_body(%arg0: i32, %arg1: memref<2048x512xf32, #tpu.memory_space<vmem>>, %arg2: memref<2048x512xf32, #tpu.memory_space<vmem>>, %arg3: memref<8x1024xf32, #tpu.memory_space<vmem>>, %arg4: memref<1024x128xf32, #tpu.memory_space<vmem>>, %arg5: memref<1x128xf32, #tpu.memory_space<vmem>>, %arg6: memref<128x1xf32, #tpu.memory_space<vmem>>, %arg7: memref<1x8xf32, #tpu.memory_space<vmem>>, %arg8: memref<16384x8xf32, #tpu.memory_space<vmem>>, %arg9: memref<1x8xf32, #tpu.memory_space<vmem>>, %arg10: memref<16384x1024xbf16, #tpu.memory_space<vmem>>, %arg11: memref<1024x136xbf16, #tpu.memory_space<vmem>>, %arg12: memref<128x8xf32, #tpu.memory_space<vmem>>, %arg13: memref<1x1024xf32, #tpu.memory_space<vmem>>) attributes {dimension_semantics = [#tpu.dimension_semantics<arbitrary>], iteration_bounds = array<i64: 8>, scalar_prefetch = 0 : i64, scratch_operands = 4 : i64, tpu.core_type = #tpu.core_type<tc>, window_params = [{transform_indices = @transform_0, window_bounds = array<i64: 2048, 512>}, {transform_indices = @transform_1, window_bounds = array<i64: 2048, 512>}, {pipeline_mode = #tpu.pipeline_mode<synchronous>, transform_indices = @transform_2, window_bounds = array<i64: 8, 1024>}, {pipeline_mode = #tpu.pipeline_mode<synchronous>, transform_indices = @transform_3, window_bounds = array<i64: 1024, 128>}, {pipeline_mode = #tpu.pipeline_mode<synchronous>, transform_indices = @transform_4, window_bounds = array<i64: 1, 128>}, {pipeline_mode = #tpu.pipeline_mode<synchronous>, transform_indices = @transform_5, window_bounds = array<i64: 128, 1>}, {pipeline_mode = #tpu.pipeline_mode<synchronous>, transform_indices = @transform_6, window_bounds = array<i64: 1, 8>}, {pipeline_mode = #tpu.pipeline_mode<synchronous>, transform_indices = @transform_7, window_bounds = array<i64: 16384, 8>}, {pipeline_mode = #tpu.pipeline_mode<synchronous>, transform_indices = @transform_8, window_bounds = array<i64: 1, 8>}]} {
    %eq3A = arith.constant 0 : i32
    %eq3A_0 = arith.cmpi eq, %arg0, %eq3A : i32
    %convert_element_type3A = arith.extui %eq3A_0 : i1 to i32
    %cond3A = arith.constant 0 : i32
    %cond3A_1 = arith.cmpi ne, %convert_element_type3A, %cond3A : i32
    scf.if %cond3A_1 {
      %broadcast_in_dim3A_41 = arith.constant 0.000000e+00 : f32
      %broadcast_in_dim3A_42 = vector.broadcast %broadcast_in_dim3A_41 : f32 to vector<1x1024xf32>
      %swap3A_43 = arith.constant 0 : index
      %swap3A_44 = arith.constant 0 : index
      %swap3A_45 = vector.load %arg13[%swap3A_43, %swap3A_44] : memref<1x1024xf32, #tpu.memory_space<vmem>>, vector<1x1024xf32>
      tpu.vector_store %arg13[%swap3A_43, %swap3A_44], %broadcast_in_dim3A_42 {strides = array<i32>} : memref<1x1024xf32, #tpu.memory_space<vmem>>, vector<1x1024xf32>,
    } else {
    }
    %get3A = arith.constant 0 : index
    %get3A_2 = arith.constant 0 : index
    %get3A_3 = vector.load %arg1[%get3A, %get3A_2] : memref<2048x512xf32, #tpu.memory_space<vmem>>, vector<2048x512xf32>
    %get3A_4 = arith.constant 0 : index
    %get3A_5 = arith.constant 0 : index
    %get3A_6 = vector.load %arg2[%get3A_4, %get3A_5] : memref<2048x512xf32, #tpu.memory_space<vmem>>, vector<2048x512xf32>
    %convert_element_type3A_7 = arith.truncf %get3A_3 : vector<2048x512xf32> to vector<2048x512xbf16>
    %mul3A = arith.constant 2048 : i32
    %mul3A_8 = arith.muli %arg0, %mul3A : i32
    %swap3A = arith.index_cast %mul3A_8 : i32 to index
    %swap3A_9 = arith.constant 0 : index
    %swap3A_10 = vector.load %arg10[%swap3A, %swap3A_9] : memref<16384x1024xbf16, #tpu.memory_space<vmem>>, vector<2048x512xbf16>
    tpu.vector_store %arg10[%swap3A, %swap3A_9], %convert_element_type3A_7 {strides = array<i32>} : memref<16384x1024xbf16, #tpu.memory_space<vmem>>, vector<2048x512xbf16>,
    %convert_element_type3A_11 = arith.truncf %get3A_6 : vector<2048x512xf32> to vector<2048x512xbf16>
    %mul3A_12 = arith.constant 2048 : i32
    %mul3A_13 = arith.muli %arg0, %mul3A_12 : i32
    %swap3A_14 = arith.index_cast %mul3A_13 : i32 to index
    %swap3A_15 = arith.constant 512 : index
    %swap3A_16 = vector.load %arg10[%swap3A_14, %swap3A_15] : memref<16384x1024xbf16, #tpu.memory_space<vmem>>, vector<2048x512xbf16>
    tpu.vector_store %arg10[%swap3A_14, %swap3A_15], %convert_element_type3A_11 {strides = array<i32>} : memref<16384x1024xbf16, #tpu.memory_space<vmem>>, vector<2048x512xbf16>,
    %get3A_17 = arith.constant 0 : index
    %get3A_18 = arith.constant 0 : index
    %get3A_19 = vector.load %arg13[%get3A_17, %get3A_18] : memref<1x1024xf32, #tpu.memory_space<vmem>>, vector<1x512xf32>
    %mul3A_20 = arith.mulf %get3A_3, %get3A_3 : vector<2048x512xf32>
    %reduce_sum3A = arith.constant dense<0.000000e+00> : vector<512xf32>
    %reduce_sum3A_21 = vector.multi_reduction <add>, %mul3A_20, %reduce_sum3A [0] : vector<2048x512xf32> to vector<512xf32>
    %broadcast_in_dim3A = vector.shape_cast %reduce_sum3A_21 : vector<512xf32> to vector<1x512xf32>
    %add3A = arith.addf %get3A_19, %broadcast_in_dim3A : vector<1x512xf32>
    %swap3A_22 = arith.constant 0 : index
    %swap3A_23 = arith.constant 0 : index
    %swap3A_24 = vector.load %arg13[%swap3A_22, %swap3A_23] : memref<1x1024xf32, #tpu.memory_space<vmem>>, vector<1x512xf32>
    tpu.vector_store %arg13[%swap3A_22, %swap3A_23], %add3A {strides = array<i32>} : memref<1x1024xf32, #tpu.memory_space<vmem>>, vector<1x512xf32>,
    %get3A_25 = arith.constant 0 : index
    %get3A_26 = arith.constant 512 : index
    %get3A_27 = vector.load %arg13[%get3A_25, %get3A_26] : memref<1x1024xf32, #tpu.memory_space<vmem>>, vector<1x512xf32>
    %mul3A_28 = arith.mulf %get3A_6, %get3A_6 : vector<2048x512xf32>
    %reduce_sum3A_29 = arith.constant dense<0.000000e+00> : vector<512xf32>
    %reduce_sum3A_30 = vector.multi_reduction <add>, %mul3A_28, %reduce_sum3A_29 [0] : vector<2048x512xf32> to vector<512xf32>
    %broadcast_in_dim3A_31 = vector.shape_cast %reduce_sum3A_30 : vector<512xf32> to vector<1x512xf32>
    %add3A_32 = arith.addf %get3A_27, %broadcast_in_dim3A_31 : vector<1x512xf32>
    %swap3A_33 = arith.constant 0 : index
    %swap3A_34 = arith.constant 512 : index
    %swap3A_35 = vector.load %arg13[%swap3A_33, %swap3A_34] : memref<1x1024xf32, #tpu.memory_space<vmem>>, vector<1x512xf32>
    tpu.vector_store %arg13[%swap3A_33, %swap3A_34], %add3A_32 {strides = array<i32>} : memref<1x1024xf32, #tpu.memory_space<vmem>>, vector<1x512xf32>,
    %eq3A_36 = arith.constant 7 : i32
    %eq3A_37 = arith.cmpi eq, %arg0, %eq3A_36 : i32
    %convert_element_type3A_38 = arith.extui %eq3A_37 : i1 to i32
    %cond3A_39 = arith.constant 0 : i32
    %cond3A_40 = arith.cmpi ne, %convert_element_type3A_38, %cond3A_39 : i32
    scf.if %cond3A_40 {
      %get3A_41 = arith.constant 0 : index
      %get3A_42 = arith.constant 0 : index
      %get3A_43 = vector.load %arg3[%get3A_41, %get3A_42] : memref<8x1024xf32, #tpu.memory_space<vmem>>, vector<8x1024xf32>
      %get3A_44 = arith.constant 0 : index
      %get3A_45 = arith.constant 0 : index
      %get3A_46 = vector.load %arg13[%get3A_44, %get3A_45] : memref<1x1024xf32, #tpu.memory_space<vmem>>, vector<1x1024xf32>
      %sqrt3A = math.sqrt %get3A_46 : vector<1x1024xf32>
      %max3A = arith.constant 9.99999996E-13 : f32
      %max3A_47 = vector.broadcast %max3A : f32 to vector<1x1024xf32>
      %max3A_48 = arith.maximumf %sqrt3A, %max3A_47 : vector<1x1024xf32>
      %div3A = arith.constant 1.000000e+00 : f32
      %div3A_49 = vector.broadcast %div3A : f32 to vector<1x1024xf32>
      %div3A_50 = arith.divf %div3A_49, %max3A_48 : vector<1x1024xf32>
      %iota3A = tpu.iota {dimensions = array<i32: 0>} : vector<8x128xi32>
      %iota3A_51 = tpu.iota {dimensions = array<i32: 1>} : vector<8x128xi32>
      %jit3A = arith.constant 16 : i32
      %div3A_52 = vector.broadcast %jit3A : i32 to vector<8x128xi32>
      %div3A_53 = arith.divsi %iota3A_51, %div3A_52 : vector<8x128xi32>
      %sign3A = arith.constant 0 : i32
      %sign3A_54 = vector.broadcast %sign3A : i32 to vector<8x128xi32>
      %sign3A_55 = arith.cmpi sgt, %iota3A_51, %sign3A_54 : vector<8x128xi32>
      %sign3A_56 = arith.extui %sign3A_55 : vector<8x128xi1> to vector<8x128xi32>
      %sign3A_57 = arith.constant 0 : i32
      %sign3A_58 = vector.broadcast %sign3A_57 : i32 to vector<8x128xi32>
      %sign3A_59 = arith.cmpi slt, %iota3A_51, %sign3A_58 : vector<8x128xi32>
      %sign3A_60 = arith.extui %sign3A_59 : vector<8x128xi1> to vector<8x128xi32>
      %sign3A_61 = arith.subi %sign3A_56, %sign3A_60 : vector<8x128xi32>
      %sign3A_62 = arith.constant 0 : i32
      %sign3A_63 = arith.cmpi sgt, %jit3A, %sign3A_62 : i32
      %sign3A_64 = arith.extui %sign3A_63 : i1 to i32
      %sign3A_65 = arith.constant 0 : i32
      %sign3A_66 = arith.cmpi slt, %jit3A, %sign3A_65 : i32
      %sign3A_67 = arith.extui %sign3A_66 : i1 to i32
      %sign3A_68 = arith.subi %sign3A_64, %sign3A_67 : i32
      %ne3A = vector.broadcast %sign3A_68 : i32 to vector<8x128xi32>
      %ne3A_69 = arith.cmpi ne, %sign3A_61, %ne3A : vector<8x128xi32>
      %rem3A = vector.broadcast %jit3A : i32 to vector<8x128xi32>
      %rem3A_70 = arith.remsi %iota3A_51, %rem3A : vector<8x128xi32>
      %ne3A_71 = arith.constant 0 : i32
      %ne3A_72 = vector.broadcast %ne3A_71 : i32 to vector<8x128xi32>
      %ne3A_73 = arith.cmpi ne, %rem3A_70, %ne3A_72 : vector<8x128xi32>
      %and3A = arith.andi %ne3A_69, %ne3A_73 : vector<8x128xi1>
      %sub3A = arith.constant 1 : i32
      %sub3A_74 = vector.broadcast %sub3A : i32 to vector<8x128xi32>
      %sub3A_75 = arith.subi %div3A_53, %sub3A_74 : vector<8x128xi32>
      %select_n3A = arith.select %and3A, %sub3A_75, %div3A_53 : vector<8x128xi1>, vector<8x128xi32>
      %eq3A_76 = arith.cmpi eq, %select_n3A, %iota3A : vector<8x128xi32>
      %convert_element_type3A_77 = arith.extui %eq3A_76 : vector<8x128xi1> to vector<8x128xi32>
      %convert_element_type3A_78 = arith.sitofp %convert_element_type3A_77 : vector<8x128xi32> to vector<8x128xf32>
      %dot_general3A = arith.constant dense<0.000000e+00> : vector<1024x128xf32>
      %dot_general3A_79 = tpu.matmul %get3A_43, %convert_element_type3A_78, %dot_general3A {dimension_numbers = #tpu.dot_dimension_numbers<[0], [0], [1], [1], [0, 1, 1, 1], [], []>, transpose_lhs_hint = false} : vector<8x1024xf32>, vector<8x128xf32>, vector<1024x128xf32> -> vector<1024x128xf32>
      %get3A_80 = arith.constant 0 : index
      %get3A_81 = arith.constant 0 : index
      %get3A_82 = vector.load %arg4[%get3A_80, %get3A_81] : memref<1024x128xf32, #tpu.memory_space<vmem>>, vector<1024x128xf32>
      %mul3A_83 = arith.mulf %dot_general3A_79, %get3A_82 : vector<1024x128xf32>
      %convert_element_type3A_84 = arith.truncf %mul3A_83 : vector<1024x128xf32> to vector<1024x128xbf16>
      %swap3A_85 = arith.constant 0 : index
      %swap3A_86 = arith.constant 0 : index
      %swap3A_87 = vector.load %arg11[%swap3A_85, %swap3A_86] : memref<1024x136xbf16, #tpu.memory_space<vmem>>, vector<1024x128xbf16>
      tpu.vector_store %arg11[%swap3A_85, %swap3A_86], %convert_element_type3A_84 {strides = array<i32>} : memref<1024x136xbf16, #tpu.memory_space<vmem>>, vector<1024x128xbf16>,
      %iota3A_88 = tpu.iota {dimensions = array<i32: 0>} : vector<8x8xi32>
      %iota3A_89 = tpu.iota {dimensions = array<i32: 1>} : vector<8x8xi32>
      %eq3A_90 = arith.cmpi eq, %iota3A_88, %iota3A_89 : vector<8x8xi32>
      %convert_element_type3A_91 = arith.extui %eq3A_90 : vector<8x8xi1> to vector<8x8xi32>
      %convert_element_type3A_92 = arith.sitofp %convert_element_type3A_91 : vector<8x8xi32> to vector<8x8xf32>
      %mul3A_93 = vector.broadcast %div3A_50 : vector<1x1024xf32> to vector<8x1024xf32>
      %mul3A_94 = arith.mulf %get3A_43, %mul3A_93 : vector<8x1024xf32>
      %dot_general3A_95 = arith.constant dense<0.000000e+00> : vector<1024x8xf32>
      %dot_general3A_96 = tpu.matmul %mul3A_94, %convert_element_type3A_92, %dot_general3A_95 {dimension_numbers = #tpu.dot_dimension_numbers<[0], [0], [1], [1], [0, 1, 1, 1], [], []>, transpose_lhs_hint = false} : vector<8x1024xf32>, vector<8x8xf32>, vector<1024x8xf32> -> vector<1024x8xf32>
      %convert_element_type3A_97 = arith.truncf %dot_general3A_96 : vector<1024x8xf32> to vector<1024x8xbf16>
      %swap3A_98 = arith.constant 0 : index
      %swap3A_99 = arith.constant 128 : index
      %swap3A_100 = vector.load %arg11[%swap3A_98, %swap3A_99] : memref<1024x136xbf16, #tpu.memory_space<vmem>>, vector<1024x8xbf16>
      tpu.vector_store %arg11[%swap3A_98, %swap3A_99], %convert_element_type3A_97 {strides = array<i32>} : memref<1024x136xbf16, #tpu.memory_space<vmem>>, vector<1024x8xbf16>,
      %iota3A_101 = tpu.iota {dimensions = array<i32: 0>} : vector<128x8xi32>
      %iota3A_102 = tpu.iota {dimensions = array<i32: 1>} : vector<128x8xi32>
      %jit3A_103 = arith.constant 16 : i32
      %div3A_104 = vector.broadcast %jit3A_103 : i32 to vector<128x8xi32>
      %div3A_105 = arith.divsi %iota3A_101, %div3A_104 : vector<128x8xi32>
      %sign3A_106 = arith.constant 0 : i32
      %sign3A_107 = vector.broadcast %sign3A_106 : i32 to vector<128x8xi32>
      %sign3A_108 = arith.cmpi sgt, %iota3A_101, %sign3A_107 : vector<128x8xi32>
      %sign3A_109 = arith.extui %sign3A_108 : vector<128x8xi1> to vector<128x8xi32>
      %sign3A_110 = arith.constant 0 : i32
      %sign3A_111 = vector.broadcast %sign3A_110 : i32 to vector<128x8xi32>
      %sign3A_112 = arith.cmpi slt, %iota3A_101, %sign3A_111 : vector<128x8xi32>
      %sign3A_113 = arith.extui %sign3A_112 : vector<128x8xi1> to vector<128x8xi32>
      %sign3A_114 = arith.subi %sign3A_109, %sign3A_113 : vector<128x8xi32>
      %sign3A_115 = arith.constant 0 : i32
      %sign3A_116 = arith.cmpi sgt, %jit3A_103, %sign3A_115 : i32
      %sign3A_117 = arith.extui %sign3A_116 : i1 to i32
      %sign3A_118 = arith.constant 0 : i32
      %sign3A_119 = arith.cmpi slt, %jit3A_103, %sign3A_118 : i32
      %sign3A_120 = arith.extui %sign3A_119 : i1 to i32
      %sign3A_121 = arith.subi %sign3A_117, %sign3A_120 : i32
      %ne3A_122 = vector.broadcast %sign3A_121 : i32 to vector<128x8xi32>
      %ne3A_123 = arith.cmpi ne, %sign3A_114, %ne3A_122 : vector<128x8xi32>
      %rem3A_124 = vector.broadcast %jit3A_103 : i32 to vector<128x8xi32>
      %rem3A_125 = arith.remsi %iota3A_101, %rem3A_124 : vector<128x8xi32>
      %ne3A_126 = arith.constant 0 : i32
      %ne3A_127 = vector.broadcast %ne3A_126 : i32 to vector<128x8xi32>
      %ne3A_128 = arith.cmpi ne, %rem3A_125, %ne3A_127 : vector<128x8xi32>
      %and3A_129 = arith.andi %ne3A_123, %ne3A_128 : vector<128x8xi1>
      %sub3A_130 = arith.constant 1 : i32
      %sub3A_131 = vector.broadcast %sub3A_130 : i32 to vector<128x8xi32>
      %sub3A_132 = arith.subi %div3A_105, %sub3A_131 : vector<128x8xi32>
      %select_n3A_133 = arith.select %and3A_129, %sub3A_132, %div3A_105 : vector<128x8xi1>, vector<128x8xi32>
      %eq3A_134 = arith.cmpi eq, %select_n3A_133, %iota3A_102 : vector<128x8xi32>
      %get3A_135 = arith.constant 0 : index
      %get3A_136 = arith.constant 0 : index
      %get3A_137 = vector.load %arg6[%get3A_135, %get3A_136] : memref<128x1xf32, #tpu.memory_space<vmem>>, vector<128x1xf32>
      %jit3A_138 = arith.constant 0.000000e+00 : f32
      %broadcast_in_dim3A_139 = vector.shape_cast %get3A_137 : vector<128x1xf32> to vector<128x1xf32>
      %broadcast_in_dim3A_140 = vector.broadcast %broadcast_in_dim3A_139 : vector<128x1xf32> to vector<128x8xf32>
      %broadcast_in_dim3A_141 = vector.broadcast %jit3A_138 : f32 to vector<128x8xf32>
      %select_n3A_142 = arith.select %eq3A_134, %broadcast_in_dim3A_140, %broadcast_in_dim3A_141 : vector<128x8xi1>, vector<128x8xf32>
      %swap3A_143 = arith.constant 0 : index
      %swap3A_144 = arith.constant 0 : index
      %swap3A_145 = vector.load %arg12[%swap3A_143, %swap3A_144] : memref<128x8xf32, #tpu.memory_space<vmem>>, vector<128x8xf32>
      tpu.vector_store %arg12[%swap3A_143, %swap3A_144], %select_n3A_142 {strides = array<i32>} : memref<128x8xf32, #tpu.memory_space<vmem>>, vector<128x8xf32>,
      %broadcast_in_dim3A_146 = arith.constant 0.000000e+00 : f32
      %broadcast_in_dim3A_147 = vector.broadcast %broadcast_in_dim3A_146 : f32 to vector<1x8xf32>
      %scan3A = arith.constant 0 : i32
      %scan3A_148 = arith.constant 4 : i32
      %scan3A_149 = arith.addi %scan3A, %scan3A_148 : i32
      %scan3A_150 = arith.constant 1 : i32
      %scan3A_151 = scf.for %scan3A_181 = %scan3A to %scan3A_149 step %scan3A_150 iter_args(%scan3A_182 = %broadcast_in_dim3A_147) -> (vector<1x8xf32>)  : i32 {
        %mul3A_183 = arith.constant 4096 : i32
        %mul3A_184 = arith.muli %scan3A_181, %mul3A_183 : i32
        %get3A_185 = arith.index_cast %mul3A_184 : i32 to index
        %get3A_186 = arith.constant 0 : index
        %get3A_187 = vector.load %arg10[%get3A_185, %get3A_186] : memref<16384x1024xbf16, #tpu.memory_space<vmem>>, vector<4096x1024xbf16>
        %get3A_188 = arith.constant 0 : index
        %get3A_189 = arith.constant 0 : index
        %get3A_190 = vector.load %arg11[%get3A_188, %get3A_189] : memref<1024x136xbf16, #tpu.memory_space<vmem>>, vector<1024x136xbf16>
        %dot_general3A_191 = arith.constant dense<0.000000e+00> : vector<4096x136xf32>
        %dot_general3A_192 = tpu.matmul %get3A_187, %get3A_190, %dot_general3A_191 {dimension_numbers = #tpu.dot_dimension_numbers<[1], [0], [0], [1], [0, 0, 1, 1], [], []>, transpose_lhs_hint = false} : vector<4096x1024xbf16>, vector<1024x136xbf16>, vector<4096x136xf32> -> vector<4096x136xf32>
        %slice3A = vector.extract_strided_slice %dot_general3A_192 {offsets = [0, 0], sizes = [4096, 128], strides = [1, 1]} : vector<4096x136xf32> to vector<4096x128xf32>
        %get3A_193 = arith.constant 0 : index
        %get3A_194 = arith.constant 0 : index
        %get3A_195 = vector.load %arg5[%get3A_193, %get3A_194] : memref<1x128xf32, #tpu.memory_space<vmem>>, vector<1x128xf32>
        %add3A_196 = vector.broadcast %get3A_195 : vector<1x128xf32> to vector<4096x128xf32>
        %add3A_197 = arith.addf %slice3A, %add3A_196 : vector<4096x128xf32>
        %max3A_198 = arith.constant 0.000000e+00 : f32
        %max3A_199 = vector.broadcast %max3A_198 : f32 to vector<4096x128xf32>
        %max3A_200 = arith.maximumf %add3A_197, %max3A_199 : vector<4096x128xf32>
        %get3A_201 = arith.constant 0 : index
        %get3A_202 = arith.constant 0 : index
        %get3A_203 = vector.load %arg12[%get3A_201, %get3A_202] : memref<128x8xf32, #tpu.memory_space<vmem>>, vector<128x8xf32>
        %dot_general3A_204 = arith.constant dense<0.000000e+00> : vector<4096x8xf32>
        %dot_general3A_205 = tpu.matmul %max3A_200, %get3A_203, %dot_general3A_204 {dimension_numbers = #tpu.dot_dimension_numbers<[1], [0], [0], [1], [0, 0, 1, 1], [], []>, transpose_lhs_hint = false} : vector<4096x128xf32>, vector<128x8xf32>, vector<4096x8xf32> -> vector<4096x8xf32>
        %get3A_206 = arith.constant 0 : index
        %get3A_207 = arith.constant 0 : index
        %get3A_208 = vector.load %arg7[%get3A_206, %get3A_207] : memref<1x8xf32, #tpu.memory_space<vmem>>, vector<1x8xf32>
        %add3A_209 = vector.broadcast %get3A_208 : vector<1x8xf32> to vector<4096x8xf32>
        %add3A_210 = arith.addf %dot_general3A_205, %add3A_209 : vector<4096x8xf32>
        %mul3A_211 = arith.constant 4096 : i32
        %mul3A_212 = arith.muli %scan3A_181, %mul3A_211 : i32
        %swap3A_213 = arith.index_cast %mul3A_212 : i32 to index
        %swap3A_214 = arith.constant 0 : index
        %swap3A_215 = vector.load %arg8[%swap3A_213, %swap3A_214] : memref<16384x8xf32, #tpu.memory_space<vmem>>, vector<4096x8xf32>
        tpu.vector_store %arg8[%swap3A_213, %swap3A_214], %add3A_210 {strides = array<i32>} : memref<16384x8xf32, #tpu.memory_space<vmem>>, vector<4096x8xf32>,
        %slice3A_216 = vector.extract_strided_slice %dot_general3A_192 {offsets = [0, 128], sizes = [4096, 8], strides = [1, 1]} : vector<4096x136xf32> to vector<4096x8xf32>
        %mul3A_217 = arith.mulf %slice3A_216, %slice3A_216 : vector<4096x8xf32>
        %reduce_sum3A_218 = arith.constant dense<0.000000e+00> : vector<8xf32>
        %reduce_sum3A_219 = vector.multi_reduction <add>, %mul3A_217, %reduce_sum3A_218 [0] : vector<4096x8xf32> to vector<8xf32>
        %broadcast_in_dim3A_220 = vector.shape_cast %reduce_sum3A_219 : vector<8xf32> to vector<1x8xf32>
        %add3A_221 = arith.addf %scan3A_182, %broadcast_in_dim3A_220 : vector<1x8xf32>
        scf.yield %add3A_221 : vector<1x8xf32>
      }
      %scan3A_152 = arith.constant 4 : i32
      %mul3A_153 = arith.mulf %get3A_46, %div3A_50 : vector<1x1024xf32>
      %mul3A_154 = arith.mulf %mul3A_153, %div3A_50 : vector<1x1024xf32>
      %dot_general3A_155 = arith.constant dense<0.000000e+00> : vector<1x8xf32>
      %dot_general3A_156 = tpu.matmul %mul3A_154, %get3A_43, %dot_general3A_155 {dimension_numbers = #tpu.dot_dimension_numbers<[1], [1], [0], [0], [0, 0, 1, 0], [], []>, transpose_lhs_hint = false} : vector<1x1024xf32>, vector<8x1024xf32>, vector<1x8xf32> -> vector<1x8xf32>
      %gt3A = arith.constant 0.000000e+00 : f32
      %gt3A_157 = vector.broadcast %gt3A : f32 to vector<1x1024xf32>
      %gt3A_158 = arith.cmpf ogt, %get3A_46, %gt3A_157 : vector<1x1024xf32>
      %convert_element_type3A_159 = arith.extui %gt3A_158 : vector<1x1024xi1> to vector<1x1024xi32>
      %convert_element_type3A_160 = arith.sitofp %convert_element_type3A_159 : vector<1x1024xi32> to vector<1x1024xf32>
      %dot_general3A_161 = arith.constant dense<0.000000e+00> : vector<1x8xf32>
      %dot_general3A_162 = tpu.matmul %convert_element_type3A_160, %get3A_43, %dot_general3A_161 {dimension_numbers = #tpu.dot_dimension_numbers<[1], [1], [0], [0], [0, 0, 1, 0], [], []>, transpose_lhs_hint = false} : vector<1x1024xf32>, vector<8x1024xf32>, vector<1x8xf32> -> vector<1x8xf32>
      %sub3A_163 = arith.constant 1.000000e+00 : f32
      %sub3A_164 = vector.broadcast %sub3A_163 : f32 to vector<1x8xf32>
      %sub3A_165 = arith.subf %dot_general3A_162, %sub3A_164 : vector<1x8xf32>
      %mul3A_166 = arith.mulf %dot_general3A_162, %sub3A_165 : vector<1x8xf32>
      %mul3A_167 = arith.constant 5.000000e-01 : f32
      %mul3A_168 = vector.broadcast %mul3A_167 : f32 to vector<1x8xf32>
      %mul3A_169 = arith.mulf %mul3A_166, %mul3A_168 : vector<1x8xf32>
      %add3A_170 = arith.constant 9.99999997E-7 : f32
      %add3A_171 = vector.broadcast %add3A_170 : f32 to vector<1x8xf32>
      %add3A_172 = arith.addf %mul3A_169, %add3A_171 : vector<1x8xf32>
      %sub3A_173 = arith.subf %scan3A_151, %dot_general3A_156 : vector<1x8xf32>
      %div3A_174 = arith.constant 3.276800e+04 : f32
      %div3A_175 = vector.broadcast %div3A_174 : f32 to vector<1x8xf32>
      %div3A_176 = arith.divf %sub3A_173, %div3A_175 : vector<1x8xf32>
      %div3A_177 = arith.divf %div3A_176, %add3A_172 : vector<1x8xf32>
      %swap3A_178 = arith.constant 0 : index
      %swap3A_179 = arith.constant 0 : index
      %swap3A_180 = vector.load %arg9[%swap3A_178, %swap3A_179] : memref<1x8xf32, #tpu.memory_space<vmem>>, vector<1x8xf32>
      tpu.vector_store %arg9[%swap3A_178, %swap3A_179], %div3A_177 {strides = array<i32>} : memref<1x8xf32, #tpu.memory_space<vmem>>, vector<1x8xf32>,
    } else {
    }
    return
  }
  func.func @transform_0(%arg0: i32) -> (i32, i32) {
    %c0_i32 = arith.constant 0 : i32
    %c0_i32_0 = arith.constant 0 : i32
    return %arg0, %c0_i32 : i32, i32
  }
  func.func @transform_1(%arg0: i32) -> (i32, i32) {
    %c1_i32 = arith.constant 1 : i32
    %c0_i32 = arith.constant 0 : i32
    return %arg0, %c1_i32 : i32, i32
  }
  func.func @transform_2(%arg0: i32) -> (i32, i32) {
    %c0_i32 = arith.constant 0 : i32
    %c0_i32_0 = arith.constant 0 : i32
    %c0_i32_1 = arith.constant 0 : i32
    return %c0_i32, %c0_i32_0 : i32, i32
  }
  func.func @transform_3(%arg0: i32) -> (i32, i32) {
    %c0_i32 = arith.constant 0 : i32
    %c0_i32_0 = arith.constant 0 : i32
    %c0_i32_1 = arith.constant 0 : i32
    return %c0_i32, %c0_i32_0 : i32, i32
  }
  func.func @transform_4(%arg0: i32) -> (i32, i32) {
    %c0_i32 = arith.constant 0 : i32
    %c0_i32_0 = arith.constant 0 : i32
    %c0_i32_1 = arith.constant 0 : i32
    return %c0_i32, %c0_i32_0 : i32, i32
  }
  func.func @transform_5(%arg0: i32) -> (i32, i32) {
    %c0_i32 = arith.constant 0 : i32
    %c0_i32_0 = arith.constant 0 : i32
    %c0_i32_1 = arith.constant 0 : i32
    return %c0_i32, %c0_i32_0 : i32, i32
  }
  func.func @transform_6(%arg0: i32) -> (i32, i32) {
    %c0_i32 = arith.constant 0 : i32
    %c0_i32_0 = arith.constant 0 : i32
    %c0_i32_1 = arith.constant 0 : i32
    return %c0_i32, %c0_i32_0 : i32, i32
  }
  func.func @transform_7(%arg0: i32) -> (i32, i32) {
    %c0_i32 = arith.constant 0 : i32
    %c0_i32_0 = arith.constant 0 : i32
    %c0_i32_1 = arith.constant 0 : i32
    return %c0_i32, %c0_i32_0 : i32, i32
  }
  func.func @transform_8(%arg0: i32) -> (i32, i32) {
    %c0_i32 = arith.constant 0 : i32
    %c0_i32_0 = arith.constant 0 : i32
    %c0_i32_1 = arith.constant 0 : i32
    return %c0_i32, %c0_i32_0 : i32, i32
  }
}

</mosaic_0001>

<sc_bundles>
// kernel: kernel.4.cloned.1.call-start
scs
__scs_entry_jumppad:
0x0: {  	(pc) =	sbr.rel $0x88, $3  }
0x1: {  	(tag) =	ssettag $0x0;
	lr =	simm.s32 $0x1  }
0x2: {  	[smem:$0x3F9B] =	sst lr;
	_ =	strace $0xD0000000  }
0x3: {  	_ = 	snop  }
0x4: {  	_ = 	snop  }
0x5: {  	_ = 	snop  }
0x6: {  	_ = 	snop  }
0x7: {  	_ = 	snop  }
__scs_overlays_trampoline_lowered:
0x8: {  	[smem:$0x3FAA] =	sst s0  }
0x9: {  	[smem:$0x3FAB] =	sst s1  }
0xa: {  	[smem:$0x3FAC] =	sst s2  }
0xb: {  	[smem:$0x3FAD] =	sst s3  }
0xc: {  	[smem:$0x3FAE] =	sst s4  }
0xd: {  	[smem:$0x3FAF] =	sst s5  }
0xe: {  	[smem:$0x3FB0] =	sst s6  }
0xf: {  	[smem:$0x3FB1] =	sst s7  }
0x10: {  	[smem:$0x3FB2] =	sst s8  }
0x11: {  	[smem:$0x3FB3] =	sst s9;
	s0 =	simm.s32 @!p0 $0x0  }
0x12: {  	s1 =	sld [smem:$0x3F99];
	s0 =	simm.s32 @p0 $0x1  }
0x13: {  	[smem:$0x3FB4] =	sst s0;
	s0 =	simm.s32 @!p1 $0x0  }
0x14: {  	s2 =	sld [smem:$0x3F98];
	s0 =	simm.s32 @p1 $0x1  }
0x15: {  	[smem:$0x3FB5] =	sst s0;
	s0 =	simm.s32 @!p2 $0x0  }
0x16: {  	s3 =	sld [smem:$0x3FDB];
	s0 =	simm.s32 @p2 $0x1  }
0x17: {  	s4 =	simm.s32 $0x1BF5;
	[smem:$0x3FB7] =	sst s0  }
0x18: {  	s0 =	sld [smem:$0x3F9A];
	_ =	swait.ge [sflag:s4], $0x0  }
0x19: {  	s7 =	sld [smem:$0x3F9B]  }
0x1a: {  	s8 =	sadd.s32 $0xFFFFE003, lr  }
0x1b: {  	s9 =	sadd.s32 $0xFFFFFEF7, lr;
	s5 =	simm.s32 $0xFFFFFFFF;
	p2 =	slt.u32 s8, $0xFFFFF086  }
0x1c: {  	p1 =	slt.u32 s9, $0xF7A;
	s5 =	simm.s32 @!p2 $0x0  }
0x1d: {  	s5 =	simm.s32 @p1 $0x1;
	p0 =	seq.s32 s7, s2  }
0x1e: {  	s7 =	smul.u32 @!p0 $0xF7A, s2;
	p2 =	seq.s32 @!p0 s5, $0x0  }
0x1f: {  	s9 =	smul.u32 $0xF7A, s1;
	s8 =	simm.s32 @!p0 $0x1BF5;
	p2 =	por !p2, p0  }
0x20: {  	[sflag:s8] =	ssyncset.s32 @!p0 $0xFFFFF086;
	s6 =	sadd.s32 @!p0 s3, s7;
	s7 =	simm.s32 @!p0 $0x108  }
0x21: {  	s3 =	sadd.s32 s3, s9;
	s6 =	sadd.s32 @!p0 $0x88, s6;
	s7 =	simm.s32 @p2 $0x1082  }
0x22: {  	[simem:s7], [sflag:s8] =	dma.local @!p0 [hbm:s6], $0xF7A  }
0x23: {  	s9 =	sor.u32 $0xD0000000, s2;
	s6 =	simm.s32 $0x108;
	_ =	swait.ge @!p0 [sflag:s8], $0x0  }
0x24: {  	s3 =	sadd.s32 $0x88, s3;
	s6 =	simm.s32 @!p1 $0x1082;
	[sflag:s4] =	ssyncset.s32 $0xFFFFF086  }
0x25: {  	[simem:s6], [sflag:s4] =	dma.local [hbm:s3], $0xF7A  }
0x26: {  	[smem:$0x3F9B] =	sst s1;
	(tag) =	ssettag s2;
	_ =	strace s9  }
0x27: {  	s1 =	sld [smem:$0x3FAB]  }
0x28: {  	s2 =	sld [smem:$0x3FAC]  }
0x29: {  	s4 =	sld [smem:$0x3FAE]  }
0x2a: {  	p0 =	seq.s32 s5, $0x0;
	s5 =	sld [smem:$0x3FAF]  }
0x2b: {  	s6 =	sld [smem:$0x3FB0]  }
0x2c: {  	s7 =	sld [smem:$0x3FB1]  }
0x2d: {  	s3 =	simm.s32 $0x108;
	s8 =	sld [smem:$0x3FB2]  }
0x2e: {  	s3 =	simm.s32 @!p0 $0x1082;
	s9 =	sld [smem:$0x3FB3]  }
0x2f: {  	lr =	sadd.s32 s0, s3;
	s0 =	sld [smem:$0x3FAA]  }
0x30: {  	s3 =	sld [smem:$0x3FAD]  }
0x31: {  	[smem:$0x3FB6] =	sst s10  }
0x32: {  	s10 =	sld [smem:$0x3FB4];
	_ =	sdelay $0x3  }
0x33: {  	p0 =	seq.s32 s10, $0x1;
	s10 =	sld [smem:$0x3FB6];
	_ =	sdelay $0x3  }
0x34: {  	[smem:$0x3FB6] =	sst s10  }
0x35: {  	s10 =	sld [smem:$0x3FB5];
	_ =	sdelay $0x3  }
0x36: {  	p1 =	seq.s32 s10, $0x1;
	s10 =	sld [smem:$0x3FB6];
	_ =	sdelay $0x3  }
0x37: {  	[smem:$0x3FB6] =	sst s10  }
0x38: {  	s10 =	sld [smem:$0x3FB7]  }
0x39: {  	_ = 	snop;
	(pc) =	sbr.ind lr, $3  }
0x3a: {  	_ = 	snop  }
0x3b: {  	_ = 	snop  }
0x3c: {  	p2 =	seq.s32 s10, $0x1;
	s10 =	sld [smem:$0x3FB6]  }
0x3d: {  	_ =	shalt  }
0x3e: {  	_ =	shalt  }
0x3f: {  	_ =	shalt  }
0x40: {  	_ =	shalt  }
0x41: {  	_ =	shalt  }
0x42: {  	_ =	shalt  }
0x43: {  	_ =	shalt  }
0x44: {  	_ =	shalt  }
0x45: {  	_ =	shalt  }
0x46: {  	_ =	shalt  }
0x47: {  	_ =	shalt  }
0x48: {  	_ =	shalt  }
0x49: {  	_ =	shalt  }
0x4a: {  	_ =	shalt  }
0x4b: {  	_ =	shalt  }
0x4c: {  	_ =	shalt  }
0x4d: {  	_ =	shalt  }
0x4e: {  	_ =	shalt  }
0x4f: {  	_ =	shalt  }
0x50: {  	_ =	shalt  }
0x51: {  	_ =	shalt  }
0x52: {  	_ =	shalt  }
0x53: {  	_ =	shalt  }
0x54: {  	_ =	shalt  }
0x55: {  	_ =	shalt  }
0x56: {  	_ =	shalt  }
0x57: {  	_ =	shalt  }
0x58: {  	_ =	shalt  }
0x59: {  	_ =	shalt  }
0x5a: {  	_ =	shalt  }
0x5b: {  	_ =	shalt  }
0x5c: {  	_ =	shalt  }
0x5d: {  	_ =	shalt  }
0x5e: {  	_ =	shalt  }
0x5f: {  	_ =	shalt  }
0x60: {  	_ =	shalt  }
0x61: {  	_ =	shalt  }
0x62: {  	_ =	shalt  }
0x63: {  	_ =	shalt  }
0x64: {  	_ =	shalt  }
0x65: {  	_ =	shalt  }
0x66: {  	_ =	shalt  }
0x67: {  	_ =	shalt  }
0x68: {  	_ =	shalt  }
0x69: {  	_ =	shalt  }
0x6a: {  	_ =	shalt  }
0x6b: {  	_ =	shalt  }
0x6c: {  	_ =	shalt  }
0x6d: {  	_ =	shalt  }
0x6e: {  	_ =	shalt  }
0x6f: {  	_ =	shalt  }
0x70: {  	_ =	shalt  }
0x71: {  	_ =	shalt  }
0x72: {  	_ =	shalt  }
0x73: {  	_ =	shalt  }
0x74: {  	_ =	shalt  }
0x75: {  	_ =	shalt  }
0x76: {  	_ =	shalt  }
0x77: {  	_ =	shalt  }
0x78: {  	_ =	shalt  }
0x79: {  	_ =	shalt  }
0x7a: {  	_ =	shalt  }
0x7b: {  	_ =	shalt  }
0x7c: {  	_ =	shalt  }
0x7d: {  	_ =	shalt  }
0x7e: {  	_ =	shalt  }
0x7f: {  	_ =	shalt  }
0x80: {  	_ =	shalt  }
0x81: {  	_ =	shalt  }
0x82: {  	_ =	shalt  }
0x83: {  	_ =	shalt  }
0x84: {  	_ =	shalt  }
0x85: {  	_ =	shalt  }
0x86: {  	_ =	shalt  }
0x87: {  	_ =	shalt  }
.Lfunc_end0:
.L_simem_size_0:
called_computation_lowered:
.L_overlay_start_0:
0x88: {  	s2 =	sld [smem:$0x3FD9]  }
0x89: {  	s3 =	sld [smem:$0x3FFE];
	_ =	sdelay $0x1  }
0x8a: {  	s1 =	srdreg.scid  }
0x8b: {  	s0 =	sand.u32 $0x1, s1  }
0x8c: {  	s16 =	sshll.u32 s0, $0xA;
	s2 =	sadd.s32 s3, s2  }
0x8d: {  	s2 =	sadd.s32 s2, s16  }
0x8e: {  	[smem:$0x3FC2] =	sst s2  }
0x8f: {  	_ = 	snop  }
0x90: {  	(tm) =	ssettm $0x1  }
0x91: {  	s17 =	sld [smem:$0x3FFB];
	_ =	sdelay $0x3  }
0x92: {  	_ =	strace s17  }
0x93: {  	s2 =	sld [smem:$0x3FFC];
	_ =	sdelay $0x3  }
0x94: {  	_ =	strace s2  }
0x95: {  	s2 =	sld [smem:$0x3FFD];
	_ =	sdelay $0x3  }
0x96: {  	_ =	strace s2  }
0x97: {  	_ =	strace $0x8FFFFFFF  }
0x98: {  	s18 =	sld [smem:$0x3FDB];
	_ =	sdelay $0x1  }
0x99: {  	s19 =	simm.s32 $_scs_section_size  }
0x9a: {  	s4 =	simm.s32 $_size__tile_overlayer_lowered;
	s5 =	simm.s32 $_tile_overlayer_lowered  }
0x9b: {  	s22 =	simm.s32 $0x1BFF;
	s21 =	sshll.u32 s5, $0x1;
	s2 =	sadd.s32 s19, s18  }
0x9c: {  	s6 =	simm.s32 $0x0;
	s20 =	sshll.u32 s4, $0x1;
	s4 =	sadd.s32 s21, s2  }
0x9d: {  	[timem:s6], [sflag:s22] =	dma.local [hbm:s4], s20  }
0x9e: {  	_ =	swait.ge [sflag:s22], s20  }
0x9f: {  	s3 =	ssub.s32 $0x0, s20;
	[sflag:s22] =	ssyncset.done $0x0  }
0xa0: {  	[sflag:s22] =	ssyncadd.s32 s3;
	_ =	sdelay $0x1  }
0xa1: {  	s23 =	simm.s32 $0x1B8B  }
0xa2: {  	_ =	swait.ge [sflag:s23], $0x1  }
0xa3: {  	[sflag:s23] =	ssyncset.done $0x0  }
0xa4: {  	s25 =	simm.s32 $0x1B8E;
	s24 =	sld [smem:$0x3FFE];
	[sflag:s23] =	ssyncadd.s32 $0xFFFFFFFF  }
0xa5: {  	s26 =	simm.s32 $execute0_lowered;
	[smem:$0x3FD2] =	sst s25  }
0xa6: {  	s4 =	sshll.u32 s26, $0x1;
	_ =	strace $0x80000046;
	[dreg:$0x1] =	wrdreg $0xFFFFFFFF  }
0xa7: {  	s28 =	simm.s32 $_size_execute0_lowered;
	s2 =	sadd.s32 s2, s4;
	[dreg:$0x0] =	wrdreg $0x0  }
0xa8: {  	s4 =	sshll.u32 s28, $0x1;
	[dreg:$0x2] =	wrdreg s2  }
0xa9: {  	[dreg:$0x3] =	wrdreg s4  }
0xaa: {  	[dreg:$0x4] =	wrdreg $0xC0  }
0xab: {  	_ =	task [dreg:s6], $0x5FFFF  }
0xac: {  	[dreg:$0x1] =	wrdreg $0xFFFFFFFF  }
0xad: {  	[dreg:$0x0] =	wrdreg $0x60  }
0xae: {  	[dreg:$0x2] =	wrdreg s24  }
0xaf: {  	[dreg:$0x3] =	wrdreg $0x9  }
0xb0: {  	_ =	task.clear_ibuf [dreg:s6], $0x4FFFF;
	_ =	strace $0x90000046  }
0xb1: {  	s29 =	simm.s32 $0x9;
	_ =	strace $0x80000048  }
0xb2: {  	_ =	swait.ge [sflag:s29], $0x1  }
0xb3: {  	[sflag:s29] =	ssyncadd.s32 $0xFFFFFFFF  }
0xb4: {  	_ =	strace $0x90000048  }
0xb5: {  	_ =	sfence  }
0xb6: {  	s30 =	sld [smem:$0x0];
	_ =	sdelay $0x2  }
0xb7: {  	s31 =	sshll.u32 s1, $0xD;
	s1 =	sshrl.u32 s1, $0x2  }
0xb8: {  	s3 =	sand.u32 $0x4000, s31;
	s1 =	sadd.s32 s1, s30  }
0xb9: {  	s0 =	sor.u32 s3, s0;
	s1 =	sshll.u32 s1, $0x11  }
0xba: {  	s0 =	sor.u32 s1, s0  }
0xbb: {  	s0 =	sadd.s32 $0x8F2B, s0  }
0xbc: {  	[sflag:s0] =	ssyncadd.remote.s32 $0x1  }
0xbd: {  	_ =	sfence.sel $0xFFFF  }
0xbe: {  	[dreg:$0x0] =	wrdreg $0xFFFFFFFF;
	(pc) =	sbr.abs _section_cstart, $3  }
0xbf: {  	[dreg:$0x1] =	wrdreg $0xFFFFFFFF  }
0xc0: {  	_ =	task.clear_ibuf [dreg:s6], $0x2FFFF;
	_ =	strace $0x9FFFFFFF  }
0xc1: {  	(tm) =	ssettm $0x7FFFFFFF  }
tec
execute0_lowered:
.L_overlay_start_1:
0x0: {  	(tag) =	ssettag $0x1  }
0x1: {  	s1 =	stileid.u32  }
0x2: {  	p0 =	sgt.u32 s1, $0x3  }
.Ltmp0:
0x3: {  	_ = 	snop;
	(pc) =	sbr.rel @p0 .LBB2_17-.Ltmp0, $4  }
0x4: {  	_ = 	snop  }
0x5: {  	s3 =	rddreg [dreg:$0x0];
	s2 =	simm.s32 $0x0  }
0x6: {  	[smem:$0x7FF] =	sst s2  }
0x7: {  	s0 =	rddreg [dreg:$0x1];
	_ =	strace $0x80000047  }
0x8: {  	s4 =	srdreg.scid;
	s5 =	sshll.u32 s1, $0x5;
	s30 =	sadd.s32 $0x400, s3  }
0x9: {  	s8 =	simm.s32 $0x1;
	s9 =	simm.s32 $0x800;
	s4 =	sand.u32 $0x1, s4  }
0xa: {  	s10 =	simm.s32 $0x0;
	s6 =	sshll.u32 s4, $0x4;
	s4 =	ssub.s32 $0x2, s4  }
0xb: {  	s5 =	sor.u32 s6, s5;
	s7 =	sshrl.u32 s4, $0x1;
	s6 =	simm.s32 $0x80  }
0xc: {  	s31 =	sadd.s32 s5, s3;
	s7 =	ssub.s32 s4, s7;
	s4 =	sadd.s32 s30, s5  }
0xd: {  	v0 =	vimm.s32 $0x0;
	v1 =	vlaneseq.u32;
	v2 =	vimm.f32 $0.0e+00;
	s3 =	sadd.s32 $0x800, s31;
	s5 =	smax.u32 s7, $0x1;
	s7 =	simm.s32 $0x400  }
.LBB2_2:
0xe: {  	[tilespmem:s2], [sflag:$0x1] =	stream.strided.gather [hbm4b:s4+s6], $0x400, s7, s6, $0x38;
	[tilespmem:$0xC00] =	vst v63  }
0xf: {  	_ =	swait.ge [sflag:s8], $0x400  }
0x10: {  	[sflag:s8] =	ssyncset.done $0x0  }
0x11: {  	s11 =	simm.s32 $0x40;
	[sflag:s8] =	ssyncadd.s32 $0xFFFFFC00  }
0x12: {  	v3 =	vld [tilespmem:s11+$0xFFFFFFC0];
	_ =	sdelay $0x4  }
0x13: {  	v4 =	vshra.s32 v3, $0x1F  }
0x14: {  	v4 =	vor.u32 $0x80000000, v4  }
0x15: {  	s13 =	simm.s32 $0x440;
	v3 =	vxor.u32 v3, v4  }
0x16: {  	[tilespmem:s13+$0xFFFFFFC0] =	vst v3  }
0x17: {  	v3 =	vld [tilespmem:s11+$0xFFFFFFD0];
	_ =	sdelay $0x4  }
0x18: {  	v57 =	vshra.s32 v3, $0x1F  }
0x19: {  	v4 =	vor.u32 $0x80000000, v57  }
0x1a: {  	v3 =	vxor.u32 v3, v4  }
0x1b: {  	[tilespmem:s13+$0xFFFFFFD0] =	vst v3  }
0x1c: {  	v3 =	vld [tilespmem:s11+$0xFFFFFFE0];
	_ =	sdelay $0x4  }
0x1d: {  	v58 =	vshra.s32 v3, $0x1F  }
0x1e: {  	v4 =	vor.u32 $0x80000000, v58  }
0x1f: {  	v3 =	vxor.u32 v3, v4  }
0x20: {  	[tilespmem:s13+$0xFFFFFFE0] =	vst v3  }
0x21: {  	v3 =	vld [tilespmem:s11+$0xFFFFFFF0];
	_ =	sdelay $0x4  }
0x22: {  	v59 =	vshra.s32 v3, $0x1F  }
0x23: {  	v4 =	vor.u32 $0x80000000, v59  }
0x24: {  	v3 =	vxor.u32 v3, v4  }
0x25: {  	[tilespmem:s13+$0xFFFFFFF0] =	vst v3  }
0x26: {  	v3 =	vld [tilespmem:s11+$0x0];
	_ =	sdelay $0x4  }
0x27: {  	v60 =	vshra.s32 v3, $0x1F  }
0x28: {  	v4 =	vor.u32 $0x80000000, v60  }
0x29: {  	v3 =	vxor.u32 v3, v4  }
0x2a: {  	[tilespmem:s13+$0x0] =	vst v3  }
0x2b: {  	v3 =	vld [tilespmem:s11+$0x10];
	_ =	sdelay $0x4  }
0x2c: {  	v61 =	vshra.s32 v3, $0x1F  }
0x2d: {  	v4 =	vor.u32 $0x80000000, v61  }
0x2e: {  	v3 =	vxor.u32 v3, v4  }
0x2f: {  	[tilespmem:s13+$0x10] =	vst v3  }
0x30: {  	v3 =	vld [tilespmem:s11+$0x20];
	_ =	sdelay $0x4  }
0x31: {  	v62 =	vshra.s32 v3, $0x1F  }
0x32: {  	v4 =	vor.u32 $0x80000000, v62  }
0x33: {  	v3 =	vxor.u32 v3, v4  }
0x34: {  	[tilespmem:s13+$0x20] =	vst v3  }
0x35: {  	v3 =	vld [tilespmem:s11+$0x30];
	_ =	sdelay $0x4  }
0x36: {  	v63 =	vshra.s32 v3, $0x1F  }
0x37: {  	v4 =	vor.u32 $0x80000000, v63  }
0x38: {  	v3 =	vxor.u32 v3, v4  }
0x39: {  	s14 =	simm.s32 $0x0;
	s15 =	simm.s32 $0xC0;
	s12 =	simm.s32 $0xFFFFFFFF;
	[tilespmem:s13+$0x30] =	vst v3  }
.LBB2_3:
0x3a: {  	v3 =	vld [tilespmem:s15+$0xFFFFFFC0];
	s14 =	sadd.s32 $0x8, s14  }
0x3b: {  	p0 =	slt.u32 s14, $0x38;
	_ =	sdelay $0x3  }
0x3c: {  	v4 =	vshra.s32 v3, $0x1F  }
0x3d: {  	v4 =	vor.u32 $0x80000000, v4  }
0x3e: {  	s13 =	sadd.s32 $0x80, s13;
	v3 =	vxor.u32 v3, v4  }
0x3f: {  	[tilespmem:s13+$0xFFFFFFC0] =	vst v3  }
0x40: {  	v3 =	vld [tilespmem:s15+$0xFFFFFFD0];
	_ =	sdelay $0x4  }
0x41: {  	v4 =	vshra.s32 v3, $0x1F  }
0x42: {  	v4 =	vor.u32 $0x80000000, v4  }
0x43: {  	v3 =	vxor.u32 v3, v4  }
0x44: {  	[tilespmem:s13+$0xFFFFFFD0] =	vst v3  }
0x45: {  	v3 =	vld [tilespmem:s15+$0xFFFFFFE0];
	_ =	sdelay $0x4  }
0x46: {  	v4 =	vshra.s32 v3, $0x1F  }
0x47: {  	v4 =	vor.u32 $0x80000000, v4  }
0x48: {  	v3 =	vxor.u32 v3, v4  }
0x49: {  	[tilespmem:s13+$0xFFFFFFE0] =	vst v3  }
0x4a: {  	v3 =	vld [tilespmem:s15+$0xFFFFFFF0];
	_ =	sdelay $0x4  }
0x4b: {  	v4 =	vshra.s32 v3, $0x1F  }
0x4c: {  	v4 =	vor.u32 $0x80000000, v4  }
0x4d: {  	v3 =	vxor.u32 v3, v4  }
0x4e: {  	[tilespmem:s13+$0xFFFFFFF0] =	vst v3  }
0x4f: {  	v3 =	vld [tilespmem:s15+$0x0];
	_ =	sdelay $0x4  }
0x50: {  	v4 =	vshra.s32 v3, $0x1F  }
0x51: {  	v4 =	vor.u32 $0x80000000, v4  }
0x52: {  	v3 =	vxor.u32 v3, v4  }
0x53: {  	[tilespmem:s13+$0x0] =	vst v3  }
0x54: {  	v3 =	vld [tilespmem:s15+$0x10];
	_ =	sdelay $0x4  }
0x55: {  	v4 =	vshra.s32 v3, $0x1F  }
0x56: {  	v4 =	vor.u32 $0x80000000, v4  }
0x57: {  	v3 =	vxor.u32 v3, v4  }
0x58: {  	[tilespmem:s13+$0x10] =	vst v3  }
0x59: {  	v3 =	vld [tilespmem:s15+$0x20];
	_ =	sdelay $0x4  }
0x5a: {  	v4 =	vshra.s32 v3, $0x1F  }
0x5b: {  	v4 =	vor.u32 $0x80000000, v4  }
0x5c: {  	v3 =	vxor.u32 v3, v4  }
0x5d: {  	[tilespmem:s13+$0x20] =	vst v3  }
0x5e: {  	v3 =	vld [tilespmem:s15+$0x30];
	_ =	sdelay $0x3  }
.Ltmp1:
0x5f: {  	(pc) =	sbr.rel @p0 .LBB2_3-.Ltmp1, $4  }
0x60: {  	v4 =	vshra.s32 v3, $0x1F  }
0x61: {  	v4 =	vor.u32 $0x80000000, v4  }
0x62: {  	v3 =	vxor.u32 v3, v4  }
0x63: {  	s11 =	simm.s32 $0x0;
	s15 =	sadd.s32 $0x80, s15;
	[tilespmem:s13+$0x30] =	vst v3  }
0x64: {  	s13 =	simm.s32 $0x0  }
.LBB2_5:
0x65: {  	s16 =	simm.s32 $0x480  }
0x66: {  	v4 =	vld [tilespmem:s16+$0xFFFFFF80]  }
0x67: {  	s14 =	ssub.s32 s12, s11;
	v5 =	vld [tilespmem:s16+$0xFFFFFF90]  }
0x68: {  	s14 =	sshrl.u32 s14, $0x1;
	v6 =	vld [tilespmem:s16+$0xFFFFFFA0]  }
0x69: {  	v7 =	vld [tilespmem:s16+$0xFFFFFFB0];
	s14 =	sadd.s32 s11, s14  }
0x6a: {  	v8 =	vld [tilespmem:s16+$0xFFFFFFC0];
	v3 =	vmov s14  }
0x6b: {  	vm0 =	vge.u32 v4, v3;
	v4 =	vld [tilespmem:s16+$0xFFFFFFD0]  }
0x6c: {  	v9 =	vimm.s32 $0x0;
	v10 =	vsel vm0, $0x1, v0;
	vm0 =	vge.u32 v5, v3;
	v5 =	vld [tilespmem:s16+$0xFFFFFFE0]  }
0x6d: {  	v9 =	vadd.s32 v10, v9;
	v10 =	vsel vm0, $0x1, v0;
	vm0 =	vge.u32 v6, v3;
	v6 =	vld [tilespmem:s16+$0xFFFFFFF0]  }
0x6e: {  	v9 =	vadd.s32 v10, v9;
	v10 =	vsel vm0, $0x1, v0;
	vm0 =	vge.u32 v7, v3;
	v7 =	vld [tilespmem:s16+$0x0]  }
0x6f: {  	v9 =	vadd.s32 v10, v9;
	v10 =	vsel vm0, $0x1, v0;
	vm0 =	vge.u32 v8, v3;
	v8 =	vld [tilespmem:s16+$0x10]  }
0x70: {  	v11 =	vld [tilespmem:s16+$0x20];
	v9 =	vadd.s32 v10, v9;
	v10 =	vsel vm0, $0x1, v0;
	vm0 =	vge.u32 v4, v3  }
0x71: {  	v4 =	vld [tilespmem:s16+$0x30];
	v9 =	vadd.s32 v10, v9;
	v10 =	vsel vm0, $0x1, v0;
	vm0 =	vge.u32 v5, v3  }
0x72: {  	v5 =	vld [tilespmem:s16+$0x40];
	v9 =	vadd.s32 v10, v9;
	v10 =	vsel vm0, $0x1, v0;
	vm0 =	vge.u32 v6, v3  }
0x73: {  	v6 =	vld [tilespmem:s16+$0x50];
	v9 =	vadd.s32 v10, v9;
	v10 =	vsel vm0, $0x1, v0;
	vm0 =	vge.u32 v7, v3  }
0x74: {  	v7 =	vld [tilespmem:s16+$0x60];
	v9 =	vadd.s32 v10, v9;
	v10 =	vsel vm0, $0x1, v0;
	vm0 =	vge.u32 v8, v3  }
0x75: {  	s15 =	simm.s32 $0x0;
	v8 =	vld [tilespmem:s16+$0x70];
	s16 =	simm.s32 $0x580;
	v9 =	vadd.s32 v10, v9;
	v10 =	vsel vm0, $0x1, v0;
	vm0 =	vge.u32 v11, v3  }
.LBB2_6:
0x76: {  	v11 =	vld [tilespmem:s16+$0xFFFFFF80];
	s15 =	sadd.s32 $0x10, s15;
	v9 =	vadd.s32 v10, v9;
	v10 =	vsel vm0, $0x1, v0;
	vm0 =	vge.u32 v4, v3  }
0x77: {  	v4 =	vld [tilespmem:s16+$0xFFFFFF90];
	p0 =	slt.u32 s15, $0x30;
	v9 =	vadd.s32 v10, v9;
	v10 =	vsel vm0, $0x1, v0;
	vm0 =	vge.u32 v5, v3  }
0x78: {  	v5 =	vld [tilespmem:s16+$0xFFFFFFA0];
	v9 =	vadd.s32 v10, v9;
	v10 =	vsel vm0, $0x1, v0;
	vm0 =	vge.u32 v6, v3  }
0x79: {  	v6 =	vld [tilespmem:s16+$0xFFFFFFB0];
	v9 =	vadd.s32 v10, v9;
	v10 =	vsel vm0, $0x1, v0;
	vm0 =	vge.u32 v7, v3  }
0x7a: {  	v7 =	vld [tilespmem:s16+$0xFFFFFFC0];
	v9 =	vadd.s32 v10, v9;
	v10 =	vsel vm0, $0x1, v0;
	vm0 =	vge.u32 v8, v3  }
0x7b: {  	vm1 =	vge.u32 v11, v3;
	v8 =	vld [tilespmem:s16+$0xFFFFFFD0];
	v9 =	vadd.s32 v10, v9;
	v10 =	vsel vm0, $0x1, v0  }
0x7c: {  	v11 =	vsel vm1, $0x1, v0;
	vm0 =	vge.u32 v4, v3;
	v4 =	vld [tilespmem:s16+$0xFFFFFFE0];
	v9 =	vadd.s32 v10, v9  }
0x7d: {  	v9 =	vadd.s32 v11, v9;
	v10 =	vsel vm0, $0x1, v0;
	vm0 =	vge.u32 v5, v3;
	v5 =	vld [tilespmem:s16+$0xFFFFFFF0]  }
0x7e: {  	v9 =	vadd.s32 v10, v9;
	v10 =	vsel vm0, $0x1, v0;
	vm0 =	vge.u32 v6, v3;
	v6 =	vld [tilespmem:s16+$0x0]  }
0x7f: {  	v9 =	vadd.s32 v10, v9;
	v10 =	vsel vm0, $0x1, v0;
	vm0 =	vge.u32 v7, v3;
	v7 =	vld [tilespmem:s16+$0x10]  }
0x80: {  	v9 =	vadd.s32 v10, v9;
	v10 =	vsel vm0, $0x1, v0;
	vm0 =	vge.u32 v8, v3;
	v8 =	vld [tilespmem:s16+$0x20]  }
.Ltmp2:
0x81: {  	v9 =	vadd.s32 v10, v9;
	v10 =	vsel vm0, $0x1, v0;
	vm0 =	vge.u32 v4, v3;
	v4 =	vld [tilespmem:s16+$0x30];
	(pc) =	sbr.rel @p0 .LBB2_6-.Ltmp2, $4  }
0x82: {  	v9 =	vadd.s32 v10, v9;
	v10 =	vsel vm0, $0x1, v0;
	vm0 =	vge.u32 v5, v3;
	v5 =	vld [tilespmem:s16+$0x40]  }
0x83: {  	v9 =	vadd.s32 v10, v9;
	v10 =	vsel vm0, $0x1, v0;
	vm0 =	vge.u32 v6, v3;
	v6 =	vld [tilespmem:s16+$0x50]  }
0x84: {  	v9 =	vadd.s32 v10, v9;
	v10 =	vsel vm0, $0x1, v0;
	vm0 =	vge.u32 v7, v3;
	v7 =	vld [tilespmem:s16+$0x60]  }
0x85: {  	v9 =	vadd.s32 v10, v9;
	v10 =	vsel vm0, $0x1, v0;
	vm0 =	vge.u32 v8, v3;
	v8 =	vld [tilespmem:s16+$0x70];
	s16 =	sadd.s32 $0x100, s16  }
0x86: {  	v9 =	vadd.s32 v10, v9;
	v58 =	vsel vm0, $0x1, v0;
	vm11 =	vge.u32 v4, v3  }
0x87: {  	v59 =	vadd.s32 v58, v9;
	v60 =	vsel vm11, $0x1, v0;
	vm12 =	vge.u32 v5, v3  }
0x88: {  	v4 =	vadd.s32 v60, v59;
	v5 =	vsel vm12, $0x1, v0;
	vm13 =	vge.u32 v6, v3  }
0x89: {  	v4 =	vadd.s32 v5, v4;
	v61 =	vsel vm13, $0x1, v0;
	vm14 =	vge.u32 v7, v3  }
0x8a: {  	v4 =	vadd.s32 v61, v4;
	v62 =	vsel vm14, $0x1, v0;
	vm15 =	vge.u32 v8, v3  }
0x8b: {  	v3 =	vadd.s32 v62, v4;
	v63 =	vsel vm15, $0x1, v0  }
0x8c: {  	v3 =	vadd.s32 v63, v3  }
0x8d: {  	(xrf0) =	vadd.scan.msk.s32 $0xffff, v3;
	_ =	sdelay $0x5  }
0x8e: {  	v3, _, _ =	vpop (xrf0)  }
0x8f: {  	(v2sf) =	vpush v3, $0xF;
	_ =	sdelay $0xe  }
0x90: {  	s15 =	spop (v2sf)  }
0x91: {  	s13 =	sadd.s32 $0x1, s13;
	p0 =	sgt.s32 s15, $0x3F  }
0x92: {  	s11 =	smov.u32 @p0 s14;
	s14 =	smov.u32 @p0 s12;
	p0 =	sne.s32 s13, $0x20  }
.Ltmp3:
0x93: {  	_ = 	snop;
	(pc) =	sbr.rel @p0 .LBB2_5-.Ltmp3, $2  }
0x94: {  	_ =	sdelay $0x2  }
0x95: {  	s12 =	smov.u32 s14  }
0x96: {  	s13 =	simm.s32 $0x480  }
0x97: {  	v4 =	vld [tilespmem:s13+$0xFFFFFF80]  }
0x98: {  	v5 =	vld [tilespmem:s13+$0xFFFFFF90]  }
0x99: {  	v6 =	vld [tilespmem:s13+$0xFFFFFFA0]  }
0x9a: {  	s12 =	sadd.s32 $0x1, s11;
	v7 =	vld [tilespmem:s13+$0xFFFFFFB0]  }
0x9b: {  	v3 =	vmov s12;
	v8 =	vld [tilespmem:s13+$0xFFFFFFC0]  }
0x9c: {  	vm0 =	vge.u32 v4, v3;
	v4 =	vld [tilespmem:s13+$0xFFFFFFD0]  }
0x9d: {  	v9 =	vimm.s32 $0x0;
	v10 =	vsel vm0, $0x1, v0;
	vm0 =	vge.u32 v5, v3;
	v5 =	vld [tilespmem:s13+$0xFFFFFFE0]  }
0x9e: {  	v9 =	vadd.s32 v10, v9;
	v10 =	vsel vm0, $0x1, v0;
	vm0 =	vge.u32 v6, v3;
	v6 =	vld [tilespmem:s13+$0xFFFFFFF0]  }
0x9f: {  	v9 =	vadd.s32 v10, v9;
	v10 =	vsel vm0, $0x1, v0;
	vm0 =	vge.u32 v7, v3;
	v7 =	vld [tilespmem:s13+$0x0]  }
0xa0: {  	v9 =	vadd.s32 v10, v9;
	v10 =	vsel vm0, $0x1, v0;
	vm0 =	vge.u32 v8, v3;
	v8 =	vld [tilespmem:s13+$0x10]  }
0xa1: {  	v11 =	vld [tilespmem:s13+$0x20];
	v9 =	vadd.s32 v10, v9;
	v10 =	vsel vm0, $0x1, v0;
	vm0 =	vge.u32 v4, v3  }
0xa2: {  	v4 =	vld [tilespmem:s13+$0x30];
	v9 =	vadd.s32 v10, v9;
	v10 =	vsel vm0, $0x1, v0;
	vm0 =	vge.u32 v5, v3  }
0xa3: {  	v5 =	vld [tilespmem:s13+$0x40];
	v9 =	vadd.s32 v10, v9;
	v10 =	vsel vm0, $0x1, v0;
	vm0 =	vge.u32 v6, v3  }
0xa4: {  	v6 =	vld [tilespmem:s13+$0x50];
	v9 =	vadd.s32 v10, v9;
	v10 =	vsel vm0, $0x1, v0;
	vm0 =	vge.u32 v7, v3  }
0xa5: {  	v7 =	vld [tilespmem:s13+$0x60];
	v9 =	vadd.s32 v10, v9;
	v10 =	vsel vm0, $0x1, v0;
	vm0 =	vge.u32 v8, v3  }
0xa6: {  	s12 =	simm.s32 $0x0;
	v8 =	vld [tilespmem:s13+$0x70];
	s13 =	simm.s32 $0x580;
	v9 =	vadd.s32 v10, v9;
	v10 =	vsel vm0, $0x1, v0;
	vm0 =	vge.u32 v11, v3  }
.LBB2_9:
0xa7: {  	v11 =	vld [tilespmem:s13+$0xFFFFFF80];
	s12 =	sadd.s32 $0x10, s12;
	v9 =	vadd.s32 v10, v9;
	v10 =	vsel vm0, $0x1, v0;
	vm0 =	vge.u32 v4, v3  }
0xa8: {  	v4 =	vld [tilespmem:s13+$0xFFFFFF90];
	p0 =	slt.u32 s12, $0x30;
	v9 =	vadd.s32 v10, v9;
	v10 =	vsel vm0, $0x1, v0;
	vm0 =	vge.u32 v5, v3  }
0xa9: {  	v5 =	vld [tilespmem:s13+$0xFFFFFFA0];
	v9 =	vadd.s32 v10, v9;
	v10 =	vsel vm0, $0x1, v0;
	vm0 =	vge.u32 v6, v3  }
0xaa: {  	v6 =	vld [tilespmem:s13+$0xFFFFFFB0];
	v9 =	vadd.s32 v10, v9;
	v10 =	vsel vm0, $0x1, v0;
	vm0 =	vge.u32 v7, v3  }
0xab: {  	v7 =	vld [tilespmem:s13+$0xFFFFFFC0];
	v9 =	vadd.s32 v10, v9;
	v10 =	vsel vm0, $0x1, v0;
	vm0 =	vge.u32 v8, v3  }
0xac: {  	vm1 =	vge.u32 v11, v3;
	v8 =	vld [tilespmem:s13+$0xFFFFFFD0];
	v9 =	vadd.s32 v10, v9;
	v10 =	vsel vm0, $0x1, v0  }
0xad: {  	v11 =	vsel vm1, $0x1, v0;
	vm0 =	vge.u32 v4, v3;
	v4 =	vld [tilespmem:s13+$0xFFFFFFE0];
	v9 =	vadd.s32 v10, v9  }
0xae: {  	v9 =	vadd.s32 v11, v9;
	v10 =	vsel vm0, $0x1, v0;
	vm0 =	vge.u32 v5, v3;
	v5 =	vld [tilespmem:s13+$0xFFFFFFF0]  }
0xaf: {  	v9 =	vadd.s32 v10, v9;
	v10 =	vsel vm0, $0x1, v0;
	vm0 =	vge.u32 v6, v3;
	v6 =	vld [tilespmem:s13+$0x0]  }
0xb0: {  	v9 =	vadd.s32 v10, v9;
	v10 =	vsel vm0, $0x1, v0;
	vm0 =	vge.u32 v7, v3;
	v7 =	vld [tilespmem:s13+$0x10]  }
0xb1: {  	v9 =	vadd.s32 v10, v9;
	v10 =	vsel vm0, $0x1, v0;
	vm0 =	vge.u32 v8, v3;
	v8 =	vld [tilespmem:s13+$0x20]  }
.Ltmp4:
0xb2: {  	v9 =	vadd.s32 v10, v9;
	v10 =	vsel vm0, $0x1, v0;
	vm0 =	vge.u32 v4, v3;
	v4 =	vld [tilespmem:s13+$0x30];
	(pc) =	sbr.rel @p0 .LBB2_9-.Ltmp4, $4  }
0xb3: {  	v9 =	vadd.s32 v10, v9;
	v10 =	vsel vm0, $0x1, v0;
	vm0 =	vge.u32 v5, v3;
	v5 =	vld [tilespmem:s13+$0x40]  }
0xb4: {  	v9 =	vadd.s32 v10, v9;
	v10 =	vsel vm0, $0x1, v0;
	vm0 =	vge.u32 v6, v3;
	v6 =	vld [tilespmem:s13+$0x50]  }
0xb5: {  	v9 =	vadd.s32 v10, v9;
	v10 =	vsel vm0, $0x1, v0;
	vm0 =	vge.u32 v7, v3;
	v7 =	vld [tilespmem:s13+$0x60]  }
0xb6: {  	v9 =	vadd.s32 v10, v9;
	v10 =	vsel vm0, $0x1, v0;
	vm0 =	vge.u32 v8, v3;
	v8 =	vld [tilespmem:s13+$0x70];
	s13 =	sadd.s32 $0x100, s13  }
0xb7: {  	v9 =	vadd.s32 v10, v9;
	v62 =	vsel vm0, $0x1, v0;
	vm11 =	vge.u32 v4, v3  }
0xb8: {  	v4 =	vadd.s32 v62, v9;
	v63 =	vsel vm11, $0x1, v0;
	vm12 =	vge.u32 v5, v3  }
0xb9: {  	v4 =	vadd.s32 v63, v4;
	v5 =	vsel vm12, $0x1, v0;
	vm13 =	vge.u32 v6, v3  }
0xba: {  	v4 =	vadd.s32 v5, v4;
	v5 =	vsel vm13, $0x1, v0;
	vm14 =	vge.u32 v7, v3  }
0xbb: {  	v4 =	vadd.s32 v5, v4;
	v5 =	vsel vm14, $0x1, v0;
	vm15 =	vge.u32 v8, v3  }
0xbc: {  	v3 =	vadd.s32 v5, v4;
	v4 =	vsel vm15, $0x1, v0  }
0xbd: {  	v3 =	vadd.s32 v4, v3  }
0xbe: {  	(xrf0) =	vadd.scan.msk.s32 $0xffff, v3;
	_ =	sdelay $0x5  }
0xbf: {  	v3, _, _ =	vpop (xrf0)  }
0xc0: {  	(v2sf) =	vpush v3, $0xF;
	_ =	sdelay $0xe  }
0xc1: {  	s14 =	simm.s32 $0x400;
	s12 =	spop (v2sf)  }
0xc2: {  	s13 =	simm.s32 $0x0;
	v3 =	vmov s11;
	s11 =	simm.s32 $0x0;
	s12 =	ssub.s32 $0x40, s12  }
.LBB2_11:
0xc3: {  	s17 =	simm.s32 $0x440  }
0xc4: {  	v5 =	vld [tilespmem:s17+$0x30]  }
0xc5: {  	v6 =	vld [tilespmem:s17+$0x20]  }
0xc6: {  	s15 =	sadd.s32 s11, s14;
	s16 =	simm.s32 $0x70;
	v7 =	vld [tilespmem:s17+$0x10]  }
0xc7: {  	s18 =	simm.s32 $0x60;
	v10 =	vimm.s32 $0x0;
	s20 =	simm.s32 $0x30;
	s21 =	simm.s32 $0x40;
	v8 =	vld [tilespmem:s17+$0x0];
	v9 =	vor.u32 s16, v1  }
0xc8: {  	s19 =	simm.s32 $0x50;
	s22 =	simm.s32 $0x0;
	s15 =	sshra.s32 s15, $0x1;
	v11 =	vld [tilespmem:s17+$0xFFFFFFF0];
	v12 =	vor.u32 s18, v1;
	v13 =	vor.u32 s20, v1;
	v14 =	vor.u32 s21, v1  }
0xc9: {  	s31 =	simm.s32 $0x20;
	s23 =	simm.s32 $0x10;
	v63 =	vld [tilespmem:s17+$0xFFFFFFC0];
	v15 =	vor.u32 s19, v1;
	v16 =	vor.u32 s22, v1;
	v4 =	vmov s15  }
0xca: {  	v17 =	vld [tilespmem:s17+$0xFFFFFFD0];
	v18 =	vor.u32 s23, v1;
	v19 =	vor.u32 s31, v1;
	vm0 =	vlt.s32 v9, v4  }
0xcb: {  	v20 =	vld [tilespmem:s17+$0xFFFFFFE0];
	vm6 =	vlt.s32 v14, v4;
	vm2 =	vlt.s32 v15, v4;
	vm1 =	vlt.s32 v12, v4  }
0xcc: {  	vm7 =	vlt.s32 v18, v4;
	vm8 =	vlt.s32 v19, v4;
	vm9 =	vlt.s32 v13, v4  }
0xcd: {  	vm10 =	vlt.s32 v16, v4;
	vm4 =	veq.s32 v6, v3;
	vm3 =	veq.s32 v5, v3  }
0xce: {  	vm11 =	veq.s32 v63, v3;
	vm12 =	veq.s32 v8, v3;
	vm5 =	veq.s32 v7, v3  }
0xcf: {  	vm13 =	veq.s32 v11, v3;
	vm10 =	vmand vm10, vm11;
	vm11 =	veq.s32 v17, v3  }
0xd0: {  	vm15 =	veq.s32 v20, v3;
	v5 =	vsel vm10, $0x1, v0;
	vm7 =	vmand vm7, vm11  }
0xd1: {  	v5 =	vadd.s32 v5, v10;
	v6 =	vsel vm7, $0x1, v0;
	vm7 =	vmand vm8, vm15  }
0xd2: {  	v5 =	vadd.s32 v6, v5;
	v6 =	vsel vm7, $0x1, v0;
	vm7 =	vmand vm9, vm13  }
0xd3: {  	s17 =	simm.s32 $0x0;
	s18 =	simm.s32 $0x4C0;
	vm6 =	vmand vm6, vm12;
	v5 =	vadd.s32 v6, v5;
	v6 =	vsel vm7, $0x1, v0  }
.LBB2_12:
0xd4: {  	v7 =	vld [tilespmem:s18+$0x30];
	v5 =	vadd.s32 v6, v5;
	v6 =	vsel vm6, $0x1, v0;
	vm2 =	vmand vm2, vm5  }
0xd5: {  	vm1 =	vmand vm1, vm4;
	v8 =	vld [tilespmem:s18+$0x20];
	v5 =	vadd.s32 v6, v5;
	v6 =	vsel vm2, $0x1, v0  }
0xd6: {  	vm0 =	vmand vm0, vm3;
	s16 =	sadd.s32 $0x80, s16;
	v9 =	vld [tilespmem:s18+$0x10];
	v5 =	vadd.s32 v6, v5;
	v6 =	vsel vm1, $0x1, v0  }
0xd7: {  	s19 =	sadd.s32 $0xFFFFFFE0, s16;
	s20 =	sadd.s32 $0xFFFFFFF0, s16;
	v11 =	vor.u32 s16, v1;
	v10 =	vld [tilespmem:s18+$0x0];
	v5 =	vadd.s32 v6, v5;
	v6 =	vsel vm0, $0x1, v0  }
0xd8: {  	s21 =	sadd.s32 $0xFFFFFFB0, s16;
	s22 =	sadd.s32 $0xFFFFFFC0, s16;
	s23 =	sadd.s32 $0xFFFFFFD0, s16;
	v13 =	vor.u32 s20, v1;
	vm0 =	vlt.s32 v11, v4;
	v12 =	vld [tilespmem:s18+$0xFFFFFFF0];
	v5 =	vadd.s32 v6, v5  }
0xd9: {  	s17 =	sadd.s32 $0x8, s17;
	s24 =	sadd.s32 $0xFFFFFFA0, s16;
	s20 =	sadd.s32 $0xFFFFFF90, s16;
	v14 =	vor.u32 s23, v1;
	v15 =	vor.u32 s19, v1;
	v11 =	vor.u32 s22, v1;
	v6 =	vld [tilespmem:s18+$0xFFFFFFC0]  }
0xda: {  	p0 =	slt.u32 s17, $0x38;
	v18 =	vor.u32 s24, v1;
	v19 =	vor.u32 s21, v1;
	v16 =	vor.u32 s20, v1;
	v17 =	vld [tilespmem:s18+$0xFFFFFFD0]  }
0xdb: {  	vm6 =	vlt.s32 v14, v4;
	vm2 =	vlt.s32 v15, v4;
	vm1 =	vlt.s32 v13, v4;
	v20 =	vld [tilespmem:s18+$0xFFFFFFE0]  }
0xdc: {  	vm7 =	vlt.s32 v18, v4;
	vm8 =	vlt.s32 v19, v4;
	vm9 =	vlt.s32 v11, v4  }
0xdd: {  	vm10 =	vlt.s32 v16, v4;
	vm3 =	veq.s32 v7, v3;
	vm4 =	veq.s32 v8, v3  }
0xde: {  	vm5 =	veq.s32 v9, v3;
	vm12 =	veq.s32 v10, v3;
	vm11 =	veq.s32 v6, v3  }
.Ltmp5:
0xdf: {  	vm13 =	veq.s32 v12, v3;
	vm10 =	vmand vm10, vm11;
	vm11 =	veq.s32 v17, v3;
	(pc) =	sbr.rel @p0 .LBB2_12-.Ltmp5, $4  }
0xe0: {  	v6 =	vsel vm10, $0x1, v0;
	vm7 =	vmand vm7, vm11;
	vm10 =	veq.s32 v20, v3  }
0xe1: {  	v5 =	vadd.s32 v6, v5;
	v6 =	vsel vm7, $0x1, v0;
	vm7 =	vmand vm8, vm10  }
0xe2: {  	v5 =	vadd.s32 v6, v5;
	v6 =	vsel vm7, $0x1, v0;
	vm7 =	vmand vm9, vm13  }
0xe3: {  	s18 =	sadd.s32 $0x80, s18;
	vm6 =	vmand vm6, vm12;
	v5 =	vadd.s32 v6, v5;
	v6 =	vsel vm7, $0x1, v0  }
0xe4: {  	v4 =	vadd.s32 v6, v5;
	v5 =	vsel vm6, $0x1, v0;
	vm2 =	vmand vm2, vm5  }
0xe5: {  	vm1 =	vmand vm1, vm4;
	v4 =	vadd.s32 v5, v4;
	v5 =	vsel vm2, $0x1, v0  }
0xe6: {  	vm0 =	vmand vm0, vm3;
	v4 =	vadd.s32 v5, v4;
	v5 =	vsel vm1, $0x1, v0  }
0xe7: {  	v4 =	vadd.s32 v5, v4;
	v5 =	vsel vm0, $0x1, v0  }
0xe8: {  	v4 =	vadd.s32 v5, v4  }
0xe9: {  	(xrf0) =	vadd.scan.msk.s32 $0xffff, v4;
	_ =	sdelay $0x5  }
0xea: {  	v4, _, _ =	vpop (xrf0)  }
0xeb: {  	(v2sf) =	vpush v4, $0xF;
	_ =	sdelay $0xe  }
0xec: {  	s16 =	spop (v2sf)  }
0xed: {  	s13 =	sadd.s32 $0x1, s13;
	p0 =	slt.s32 s16, s12  }
0xee: {  	s11 =	smov.u32 @p0 s15;
	s15 =	smov.u32 @p0 s14;
	p0 =	sne.s32 s13, $0xA  }
.Ltmp6:
0xef: {  	_ = 	snop;
	(pc) =	sbr.rel @p0 .LBB2_11-.Ltmp6, $2  }
0xf0: {  	_ =	sdelay $0x2  }
0xf1: {  	s14 =	smov.u32 s15  }
0xf2: {  	s12 =	simm.s32 $0x440  }
0xf3: {  	v5 =	vld [tilespmem:s12+$0xFFFFFFC0];
	_ =	sdelay $0x2  }
0xf4: {  	s11 =	simm.s32 $0x0  }
0xf5: {  	v4 =	vmov s15;
	v6 =	vor.u32 s11, v1  }
0xf6: {  	vm1 =	vlt.s32 v6, v4;
	vm0 =	veq.s32 v5, v3  }
0xf7: {  	vm2 =	vgt.u32 v5, v3;
	vm0 =	vmand vm1, vm0  }
0xf8: {  	vm0 =	vmor vm2, vm0  }
0xf9: {  	s11 =	simm.s32 $0x840;
	v5 =	vsel vm0, $0x3F800000, v2  }
0xfa: {  	[tilespmem:s11+$0xFFFFFFC0] =	vst v5  }
0xfb: {  	v5 =	vld [tilespmem:s12+$0xFFFFFFD0];
	_ =	sdelay $0x2  }
0xfc: {  	s13 =	simm.s32 $0x10  }
0xfd: {  	v6 =	vor.u32 s13, v1  }
0xfe: {  	vm8 =	vlt.s32 v6, v4;
	vm7 =	veq.s32 v5, v3  }
0xff: {  	vm9 =	vgt.u32 v5, v3;
	vm0 =	vmand vm8, vm7  }
0x100: {  	vm0 =	vmor vm9, vm0  }
0x101: {  	v5 =	vsel vm0, $0x3F800000, v2  }
0x102: {  	[tilespmem:s11+$0xFFFFFFD0] =	vst v5  }
0x103: {  	v5 =	vld [tilespmem:s12+$0xFFFFFFE0];
	_ =	sdelay $0x2  }
0x104: {  	s26 =	simm.s32 $0x20  }
0x105: {  	v6 =	vor.u32 s26, v1  }
0x106: {  	vm11 =	vlt.s32 v6, v4;
	vm10 =	veq.s32 v5, v3  }
0x107: {  	vm12 =	vgt.u32 v5, v3;
	vm0 =	vmand vm11, vm10  }
0x108: {  	vm0 =	vmor vm12, vm0  }
0x109: {  	v5 =	vsel vm0, $0x3F800000, v2  }
0x10a: {  	[tilespmem:s11+$0xFFFFFFE0] =	vst v5  }
0x10b: {  	v5 =	vld [tilespmem:s12+$0xFFFFFFF0];
	_ =	sdelay $0x2  }
0x10c: {  	s28 =	simm.s32 $0x30  }
0x10d: {  	v6 =	vor.u32 s28, v1  }
0x10e: {  	vm14 =	vlt.s32 v6, v4;
	vm13 =	veq.s32 v5, v3  }
0x10f: {  	vm15 =	vgt.u32 v5, v3;
	vm0 =	vmand vm14, vm13  }
0x110: {  	vm0 =	vmor vm15, vm0  }
0x111: {  	v5 =	vsel vm0, $0x3F800000, v2  }
0x112: {  	[tilespmem:s11+$0xFFFFFFF0] =	vst v5  }
0x113: {  	v5 =	vld [tilespmem:s12+$0x0];
	_ =	sdelay $0x2  }
0x114: {  	s29 =	simm.s32 $0x40  }
0x115: {  	v6 =	vor.u32 s29, v1  }
0x116: {  	vm5 =	vlt.s32 v6, v4;
	vm4 =	veq.s32 v5, v3  }
0x117: {  	vm6 =	vgt.u32 v5, v3;
	vm0 =	vmand vm5, vm4  }
0x118: {  	vm0 =	vmor vm6, vm0  }
0x119: {  	v5 =	vsel vm0, $0x3F800000, v2  }
0x11a: {  	[tilespmem:s11+$0x0] =	vst v5  }
0x11b: {  	v5 =	vld [tilespmem:s12+$0x10];
	_ =	sdelay $0x2  }
0x11c: {  	s30 =	simm.s32 $0x50  }
0x11d: {  	v6 =	vor.u32 s30, v1  }
0x11e: {  	vm8 =	vlt.s32 v6, v4;
	vm7 =	veq.s32 v5, v3  }
0x11f: {  	vm9 =	vgt.u32 v5, v3;
	vm0 =	vmand vm8, vm7  }
0x120: {  	vm0 =	vmor vm9, vm0  }
0x121: {  	v5 =	vsel vm0, $0x3F800000, v2  }
0x122: {  	[tilespmem:s11+$0x10] =	vst v5  }
0x123: {  	v5 =	vld [tilespmem:s12+$0x20];
	_ =	sdelay $0x2  }
0x124: {  	s31 =	simm.s32 $0x60  }
0x125: {  	v6 =	vor.u32 s31, v1  }
0x126: {  	vm11 =	vlt.s32 v6, v4;
	vm10 =	veq.s32 v5, v3  }
0x127: {  	vm12 =	vgt.u32 v5, v3;
	vm0 =	vmand vm11, vm10  }
0x128: {  	vm0 =	vmor vm12, vm0  }
0x129: {  	v5 =	vsel vm0, $0x3F800000, v2  }
0x12a: {  	[tilespmem:s11+$0x20] =	vst v5  }
0x12b: {  	v5 =	vld [tilespmem:s12+$0x30];
	_ =	sdelay $0x2  }
0x12c: {  	s12 =	simm.s32 $0x70  }
0x12d: {  	v6 =	vor.u32 s12, v1  }
0x12e: {  	vm14 =	vlt.s32 v6, v4;
	vm13 =	veq.s32 v5, v3  }
0x12f: {  	vm15 =	vgt.u32 v5, v3;
	vm0 =	vmand vm14, vm13  }
0x130: {  	vm0 =	vmor vm15, vm0  }
0x131: {  	v5 =	vsel vm0, $0x3F800000, v2  }
0x132: {  	s14 =	simm.s32 $0x4C0;
	s13 =	simm.s32 $0x0;
	[tilespmem:s11+$0x30] =	vst v5  }
.LBB2_15:
0x133: {  	v5 =	vld [tilespmem:s14+$0xFFFFFFC0];
	s13 =	sadd.s32 $0x8, s13  }
0x134: {  	p0 =	slt.u32 s13, $0x38  }
0x135: {  	s12 =	sadd.s32 $0x80, s12  }
0x136: {  	s15 =	sadd.s32 $0xFFFFFF90, s12  }
0x137: {  	v6 =	vor.u32 s15, v1  }
0x138: {  	vm1 =	vlt.s32 v6, v4;
	vm0 =	veq.s32 v5, v3  }
0x139: {  	vm2 =	vgt.u32 v5, v3;
	vm0 =	vmand vm1, vm0  }
0x13a: {  	vm0 =	vmor vm2, vm0  }
0x13b: {  	s11 =	sadd.s32 $0x80, s11;
	v5 =	vsel vm0, $0x3F800000, v2  }
0x13c: {  	[tilespmem:s11+$0xFFFFFFC0] =	vst v5  }
0x13d: {  	v5 =	vld [tilespmem:s14+$0xFFFFFFD0];
	_ =	sdelay $0x2  }
0x13e: {  	s15 =	sadd.s32 $0xFFFFFFA0, s12  }
0x13f: {  	v6 =	vor.u32 s15, v1  }
0x140: {  	vm1 =	vlt.s32 v6, v4;
	vm0 =	veq.s32 v5, v3  }
0x141: {  	vm2 =	vgt.u32 v5, v3;
	vm0 =	vmand vm1, vm0  }
0x142: {  	vm0 =	vmor vm2, vm0  }
0x143: {  	v5 =	vsel vm0, $0x3F800000, v2  }
0x144: {  	[tilespmem:s11+$0xFFFFFFD0] =	vst v5  }
0x145: {  	v5 =	vld [tilespmem:s14+$0xFFFFFFE0];
	_ =	sdelay $0x2  }
0x146: {  	s15 =	sadd.s32 $0xFFFFFFB0, s12  }
0x147: {  	v6 =	vor.u32 s15, v1  }
0x148: {  	vm1 =	vlt.s32 v6, v4;
	vm0 =	veq.s32 v5, v3  }
0x149: {  	vm2 =	vgt.u32 v5, v3;
	vm0 =	vmand vm1, vm0  }
0x14a: {  	vm0 =	vmor vm2, vm0  }
0x14b: {  	v5 =	vsel vm0, $0x3F800000, v2  }
0x14c: {  	[tilespmem:s11+$0xFFFFFFE0] =	vst v5  }
0x14d: {  	v5 =	vld [tilespmem:s14+$0xFFFFFFF0];
	_ =	sdelay $0x2  }
0x14e: {  	s15 =	sadd.s32 $0xFFFFFFC0, s12  }
0x14f: {  	v6 =	vor.u32 s15, v1  }
0x150: {  	vm1 =	vlt.s32 v6, v4;
	vm0 =	veq.s32 v5, v3  }
0x151: {  	vm2 =	vgt.u32 v5, v3;
	vm0 =	vmand vm1, vm0  }
0x152: {  	vm0 =	vmor vm2, vm0  }
0x153: {  	v5 =	vsel vm0, $0x3F800000, v2  }
0x154: {  	[tilespmem:s11+$0xFFFFFFF0] =	vst v5  }
0x155: {  	v5 =	vld [tilespmem:s14+$0x0];
	_ =	sdelay $0x2  }
0x156: {  	s15 =	sadd.s32 $0xFFFFFFD0, s12  }
0x157: {  	v6 =	vor.u32 s15, v1  }
0x158: {  	vm1 =	vlt.s32 v6, v4;
	vm0 =	veq.s32 v5, v3  }
0x159: {  	vm2 =	vgt.u32 v5, v3;
	vm0 =	vmand vm1, vm0  }
0x15a: {  	vm0 =	vmor vm2, vm0  }
0x15b: {  	v5 =	vsel vm0, $0x3F800000, v2  }
0x15c: {  	[tilespmem:s11+$0x0] =	vst v5  }
0x15d: {  	v5 =	vld [tilespmem:s14+$0x10];
	_ =	sdelay $0x2  }
0x15e: {  	s15 =	sadd.s32 $0xFFFFFFE0, s12  }
0x15f: {  	v6 =	vor.u32 s15, v1  }
0x160: {  	vm1 =	vlt.s32 v6, v4;
	vm0 =	veq.s32 v5, v3  }
0x161: {  	vm2 =	vgt.u32 v5, v3;
	vm0 =	vmand vm1, vm0  }
0x162: {  	vm0 =	vmor vm2, vm0  }
0x163: {  	v5 =	vsel vm0, $0x3F800000, v2  }
0x164: {  	[tilespmem:s11+$0x10] =	vst v5  }
0x165: {  	v5 =	vld [tilespmem:s14+$0x20];
	_ =	sdelay $0x2  }
0x166: {  	s15 =	sadd.s32 $0xFFFFFFF0, s12  }
0x167: {  	v6 =	vor.u32 s15, v1  }
0x168: {  	vm1 =	vlt.s32 v6, v4;
	vm0 =	veq.s32 v5, v3  }
0x169: {  	vm2 =	vgt.u32 v5, v3;
	vm0 =	vmand vm1, vm0  }
0x16a: {  	vm0 =	vmor vm2, vm0  }
0x16b: {  	v5 =	vsel vm0, $0x3F800000, v2  }
0x16c: {  	[tilespmem:s11+$0x20] =	vst v5  }
0x16d: {  	v5 =	vld [tilespmem:s14+$0x30];
	_ =	sdelay $0x3  }
0x16e: {  	v6 =	vor.u32 s12, v1  }
.Ltmp7:
0x16f: {  	vm1 =	vlt.s32 v6, v4;
	vm0 =	veq.s32 v5, v3;
	(pc) =	sbr.rel @p0 .LBB2_15-.Ltmp7, $4  }
0x170: {  	vm2 =	vgt.u32 v5, v3;
	vm0 =	vmand vm1, vm0  }
0x171: {  	vm0 =	vmor vm2, vm0  }
0x172: {  	v5 =	vsel vm0, $0x3F800000, v2  }
0x173: {  	s14 =	sadd.s32 $0x80, s14;
	[tilespmem:s11+$0x30] =	vst v5  }
0x174: {  	s10 =	sadd.s32 $0x1, s10  }
0x175: {  	p0 =	sne.s32 s10, s5  }
.Ltmp8:
0x176: {  	_ = 	snop;
	(pc) =	sbr.rel @p0 .LBB2_2-.Ltmp8, $4  }
0x177: {  	[hbm4b:s3+s6] =	stream.strided.scatter [tilespmem:s9], [sflag:$0x1], $0x400, s7, s6, $0x38;
	[tilespmem:$0xC00] =	vst v63  }
0x178: {  	_ =	swait.ge [sflag:s8], $0x400  }
0x179: {  	[sflag:s8] =	ssyncset.done $0x0  }
0x17a: {  	[sflag:s8] =	ssyncadd.s32 $0xFFFFFC00  }
.LBB2_17:
0x17b: {  	_ =	sfence.sel $0x180000  }
0x17c: {  	[bflag:$0x0] =	sbarrier.arrive $0xFFFF  }
0x17d: {  	p0 =	sne.s32 s1, $0x0;
	_ =	strace $0x90000047  }
0x17e: {  	s0 =	sadd.s32 @!p0 $0x100000, s0;
	[bflag:$0x2] =	sbarrier.arrive $0xFFFF  }
0x17f: {  	[sflag:s0] =	ssyncadd.tile.s32 @!p0 $0x1;
	_ =	shalt  }
.Lfunc_end2:
_tile_overlayer_lowered:
.L_overlay_start_2:
0x180: {  	(tag) =	ssettag $0x2  }
0x181: {  	s0 =	rddreg [dreg:$0x0];
	s2 =	stileid.u32  }
0x182: {  	s1 =	rddreg [dreg:$0x1];
	p0 =	sne.s32 s2, $0x0  }
0x183: {  	s3 =	rddreg [dreg:$0x2];
	[bflag:$0x3] =	sbarrier.arrive $0xFFFF;
	s2 =	simm.s32 @!p0 $0x1C01  }
0x184: {  	[timem:s3], [sflag:s2] =	dma.local @!p0 [hbm:s0], s1  }
0x185: {  	s0 =	simm.s32 @!p0 $0x1  }
0x186: {  	_ =	swait.ge @!p0 [sflag:s0], s1  }
0x187: {  	s1 =	ssub.s32 @!p0 $0x0, s1;
	[sflag:s0] =	ssyncset.done @!p0 $0x0  }
0x188: {  	[sflag:s0] =	ssyncadd.s32 @!p0 s1  }
0x189: {  	[bflag:$0x3] =	sbarrier.arrive $0xFFFF  }
0x18a: {  	_ =	shalt  }

</sc_bundles>
